<compile_context>
chip_gen: v7x
topology: tpu7x:2x2x1
jax: 0.10.2.dev20260603
libtpu: 0.0.44.dev20260713+nightly
codegen_flags: <defaults>
</compile_context>

<pallas_src>
import functools

import jax
import jax.numpy as jnp
from jax import lax
from jax.experimental import pallas as pl
from jax.experimental.pallas import tpu as pltpu
from jax.experimental.pallas import tpu_sc as plsc

LANES = 16


def _sc_body(hidden, ntypes, num_edges, chunk, num_heads, num_cores,
             emb_hbm, bias_hbm, idx_hbm, out_hbm,
             emb_v, bias_v, idx_v, val_v, red_v, isem, osem, wsem):
    wid = lax.axis_index("s") * num_cores + lax.axis_index("c")
    chunks_per_b = num_edges // chunk
    b = wid // chunks_per_b
    off = pl.multiple_of((wid % chunks_per_b) * chunk, 8)

    idx_cp = pltpu.async_copy(
        idx_hbm.at[pl.ds(b, 1), pl.ds(off, chunk)], idx_v, isem)

    emb_cp = pltpu.async_copy(emb_hbm, emb_v, wsem)
    bias_cp = pltpu.async_copy(bias_hbm, bias_v, wsem)
    emb_cp.wait()
    bias_cp.wait()

    def dot_body(j, accs):
        start = pl.multiple_of(j * LANES, LANES)
        bv = bias_v[0, pl.ds(start, LANES)]
        return tuple(accs[t] + emb_v[t, pl.ds(start, LANES)] * bv
                     for t in range(ntypes))

    accs = lax.fori_loop(
        0, hidden // LANES, dot_body,
        tuple(jnp.zeros((LANES,), jnp.float32) for _ in range(ntypes)),
        unroll=4)

    lane_ids = jnp.arange(LANES, dtype=jnp.int32)
    svecs = []
    for t in range(ntypes):
        a = accs[t]
        for stride in (1, 2, 4, 8):
            red_v[...] = a
            a = a + plsc.load_gather(red_v, [lane_ids ^ stride])
        svecs.append(a)

    vt = svecs[ntypes - 1]
    for t in range(ntypes - 2, -1, -1):
        vt = jnp.where(lane_ids == t, svecs[t], vt)
    red_v[...] = vt

    idx_cp.wait()

    nsub = 4
    sub = chunk // nsub
    for si in range(nsub):
        sbase = si * sub

        def body(i, carry, sbase=sbase):
            start = pl.multiple_of(sbase + i * LANES, LANES)
            tv = idx_v[0, pl.ds(start, LANES)]
            val_v[0, 0, pl.ds(start, LANES)] = plsc.load_gather(red_v, [tv])
            return carry

        lax.fori_loop(0, sub // LANES, body, 0, unroll=4)

        def hcopy(h, carry, sbase=sbase):
            pltpu.async_copy(
                val_v.at[pl.ds(0, 1), pl.ds(0, 1), pl.ds(sbase, sub)],
                out_hbm.at[pl.ds(b, 1), pl.ds(h, 1), pl.ds(off + sbase, sub)],
                osem)
            return carry

        lax.fori_loop(0, num_heads, hcopy, 0)

    def drain(i, carry):
        pltpu.make_async_copy(
            val_v.at[pl.ds(0, 1), pl.ds(0, 1), pl.ds(0, sub)],
            out_hbm.at[pl.ds(b, 1), pl.ds(0, 1), pl.ds(off, sub)],
            osem).wait()
        return carry

    lax.fori_loop(0, nsub * num_heads, drain, 0)


def kernel(query, edge_types, emb_weight, bias_weight):
    B, H = query.shape[0], query.shape[1]
    ntypes, hidden = emb_weight.shape
    num_edges = edge_types.shape[1]

    info = plsc.get_sparse_core_info()
    nw = info.num_cores * info.num_subcores
    chunk = (B * num_edges) // nw

    idx = edge_types.astype(jnp.int32)

    mesh = plsc.VectorSubcoreMesh(core_axis_name="c", subcore_axis_name="s")
    body = functools.partial(_sc_body, hidden, ntypes, num_edges, chunk, H,
                             info.num_cores)
    return pl.kernel(
        body,
        out_type=jax.ShapeDtypeStruct((B, H, num_edges), jnp.float32),
        mesh=mesh,
        compiler_params=pltpu.CompilerParams(needs_layout_passes=False),
        scratch_types=[
            pltpu.VMEM((ntypes, hidden), jnp.float32),
            pltpu.VMEM((1, hidden), jnp.float32),
            pltpu.VMEM((1, chunk), jnp.int32),
            pltpu.VMEM((1, 1, chunk), jnp.float32),
            pltpu.VMEM((LANES,), jnp.float32),
            pltpu.SemaphoreType.DMA,
            pltpu.SemaphoreType.DMA,
            pltpu.SemaphoreType.DMA,
        ],
    )(emb_weight, bias_weight, idx)

# --- scband reference (transcript-rebuilt; emitter-appended) ---
"""Pipeline reference for scband-typed-edge-embedding-58626303591033 (READ-ONLY COPY).

The authoritative reference and input builder live on the scoring server;
editing this copy changes nothing except your own understanding.
"""

import jax, jax.numpy as jnp
import numpy as np

HIDDEN_DIM = 1024
NUM_EDGE_TYPES = 3
B, H, S, DH = 4, 16, 4096, 64
NUM_EDGES = 131072

def setup_inputs(seed: int = 0) -> dict:
    key = jax.random.key(seed)
    k1, k2, k3 = jax.random.split(key, 3)
    query = jax.random.normal(k1, (B, H, S, DH), dtype=jnp.float32)
    edge_types = jax.random.randint(k2, (B, NUM_EDGES), 0, NUM_EDGE_TYPES, dtype=jnp.int64)
    emb_weight = jax.random.normal(k3, (NUM_EDGE_TYPES, HIDDEN_DIM), dtype=jnp.float32) * 0.02
    bias_weight = jnp.zeros((1, HIDDEN_DIM), dtype=jnp.float32)
    return {"query": query, "edge_types": edge_types, "emb_weight": emb_weight, "bias_weight": bias_weight}

def reference(query, edge_types, emb_weight, bias_weight):
    # Embedding lookup: [B, num_edges, hidden_dim]
    type_emb = jnp.take(emb_weight, edge_types, axis=0)
    # Linear hidden_dim -> 1, no bias, then squeeze: [B, num_edges]
    bias = jnp.squeeze(type_emb @ bias_weight.T, axis=-1)
    # unsqueeze head dim and expand: [B, num_heads, num_edges]
    bias = bias[:, None, :]
    num_heads = query.shape[1]
    bias = jnp.broadcast_to(bias, (bias.shape[0], num_heads, bias.shape[2]))
    return bias

if __name__ == "__main__":
    import jax
    _d = setup_inputs()
    print(jax.jit(kernel)(*tuple(_d.values())))

</pallas_src>

<mosaic_0001>
#map = affine_map<(d0, d1) -> (0, 0)>
#map1 = affine_map<(d0, d1) -> (0, 0, 0)>
module attributes {stable_mosaic.version = 14 : i64} {
  func.func @_sc_body(%arg0: i32, %arg1: i32, %arg2: memref<3x1024xf32, #tpu.memory_space<hbm>>, %arg3: memref<1x1024xf32, #tpu.memory_space<hbm>>, %arg4: memref<4x131072xi32, #tpu.memory_space<hbm>>, %arg5: memref<4x16x131072xf32, #tpu.memory_space<hbm>>, %arg6: memref<3x1024xf32, #tpu.memory_space<vmem>>, %arg7: memref<1x1024xf32, #tpu.memory_space<vmem>>, %arg8: memref<1x16384xi32, #tpu.memory_space<vmem>>, %arg9: memref<1x1x16384xf32, #tpu.memory_space<vmem>>, %arg10: memref<16xf32, #tpu.memory_space<vmem>>, %arg11: memref<!tpu.dma_semaphore, #tpu.memory_space<semaphore_mem>>, %arg12: memref<!tpu.dma_semaphore, #tpu.memory_space<semaphore_mem>>, %arg13: memref<!tpu.dma_semaphore, #tpu.memory_space<semaphore_mem>>) attributes {dimension_semantics = [#tpu.dimension_semantics<core_parallel>, #tpu.dimension_semantics<subcore_parallel>], iteration_bounds = array<i64: 2, 16>, scalar_prefetch = 0 : i64, scratch_operands = 8 : i64, tpu.core_type = #tpu.core_type<sc_vector_subcore>, window_params = [{transform_indices = #map}, {transform_indices = #map}, {transform_indices = #map}, {transform_indices = #map1}]} {
    %mul3A = arith.constant 2 : i32
    %mul3A_0 = arith.muli %arg1, %mul3A : i32
    %add3A = arith.addi %mul3A_0, %arg0 : i32
    %jit3A = arith.constant 8 : i32
    %div3A = arith.divsi %add3A, %jit3A : i32
    %sign3A = arith.constant 0 : i32
    %sign3A_1 = arith.cmpi sgt, %add3A, %sign3A : i32
    %sign3A_2 = arith.extui %sign3A_1 : i1 to i32
    %sign3A_3 = arith.constant 0 : i32
    %sign3A_4 = arith.cmpi slt, %add3A, %sign3A_3 : i32
    %sign3A_5 = arith.extui %sign3A_4 : i1 to i32
    %sign3A_6 = arith.subi %sign3A_2, %sign3A_5 : i32
    %sign3A_7 = arith.constant 0 : i32
    %sign3A_8 = arith.cmpi sgt, %jit3A, %sign3A_7 : i32
    %sign3A_9 = arith.extui %sign3A_8 : i1 to i32
    %sign3A_10 = arith.constant 0 : i32
    %sign3A_11 = arith.cmpi slt, %jit3A, %sign3A_10 : i32
    %sign3A_12 = arith.extui %sign3A_11 : i1 to i32
    %sign3A_13 = arith.subi %sign3A_9, %sign3A_12 : i32
    %ne3A = arith.cmpi ne, %sign3A_6, %sign3A_13 : i32
    %rem3A = arith.remsi %add3A, %jit3A : i32
    %ne3A_14 = arith.constant 0 : i32
    %ne3A_15 = arith.cmpi ne, %rem3A, %ne3A_14 : i32
    %and3A = arith.andi %ne3A, %ne3A_15 : i1
    %sub3A = arith.constant 1 : i32
    %sub3A_16 = arith.subi %div3A, %sub3A : i32
    %select_n3A = arith.select %and3A, %sub3A_16, %div3A : i32
    %jit3A_17 = arith.constant 8 : i32
    %eq3A = arith.constant 0 : i32
    %eq3A_18 = arith.cmpi eq, %jit3A_17, %eq3A : i32
    %jit3A_19 = arith.constant 1 : i32
    %select_n3A_20 = arith.select %eq3A_18, %jit3A_19, %jit3A_17 : i32
    %rem3A_21 = arith.remsi %add3A, %select_n3A_20 : i32
    %ne3A_22 = arith.constant 0 : i32
    %ne3A_23 = arith.cmpi ne, %rem3A_21, %ne3A_22 : i32
    %lt3A = arith.constant 0 : i32
    %lt3A_24 = arith.cmpi slt, %rem3A_21, %lt3A : i32
    %lt3A_25 = arith.constant 0 : i32
    %lt3A_26 = arith.cmpi slt, %select_n3A_20, %lt3A_25 : i32
    %ne3A_27 = arith.xori %lt3A_24, %lt3A_26 : i1
    %and3A_28 = arith.andi %ne3A_27, %ne3A_23 : i1
    %add3A_29 = arith.addi %rem3A_21, %select_n3A_20 : i32
    %select_n3A_30 = arith.select %and3A_28, %add3A_29, %rem3A_21 : i32
    %mul3A_31 = arith.constant 16384 : i32
    %mul3A_32 = arith.muli %select_n3A_30, %mul3A_31 : i32
    %multiple_of3A = tpu.assume_multiple %mul3A_32, 8 : i32
    %dma_start3A = tpu.memref_slice %arg4[%select_n3A, %multiple_of3A] : memref<4x131072xi32, #tpu.memory_space<hbm>> -> memref<1x16384xi32, #tpu.memory_space<hbm>>
    %dma_start3A_33 = tpu.memref_slice %arg4[%select_n3A, %multiple_of3A] : memref<4x131072xi32, #tpu.memory_space<hbm>> -> memref<1x16384xi32, #tpu.memory_space<hbm>>
    tpu.enqueue_dma source(%dma_start3A_33 : memref<1x16384xi32, #tpu.memory_space<hbm>>) target(%arg8 : memref<1x16384xi32, #tpu.memory_space<vmem>>) target_semaphore(%arg11 : memref<!tpu.dma_semaphore, #tpu.memory_space<semaphore_mem>>)
    tpu.enqueue_dma source(%arg2 : memref<3x1024xf32, #tpu.memory_space<hbm>>) target(%arg6 : memref<3x1024xf32, #tpu.memory_space<vmem>>) target_semaphore(%arg13 : memref<!tpu.dma_semaphore, #tpu.memory_space<semaphore_mem>>)
    tpu.enqueue_dma source(%arg3 : memref<1x1024xf32, #tpu.memory_space<hbm>>) target(%arg7 : memref<1x1024xf32, #tpu.memory_space<vmem>>) target_semaphore(%arg13 : memref<!tpu.dma_semaphore, #tpu.memory_space<semaphore_mem>>)
    tpu.wait_dma2 semaphore(%arg13 : memref<!tpu.dma_semaphore, #tpu.memory_space<semaphore_mem>>) src(%arg2 : memref<3x1024xf32, #tpu.memory_space<hbm>>) dst(%arg6 : memref<3x1024xf32, #tpu.memory_space<vmem>>)
    tpu.wait_dma2 semaphore(%arg13 : memref<!tpu.dma_semaphore, #tpu.memory_space<semaphore_mem>>) src(%arg3 : memref<1x1024xf32, #tpu.memory_space<hbm>>) dst(%arg7 : memref<1x1024xf32, #tpu.memory_space<vmem>>)
    %broadcast_in_dim3A = arith.constant 0.000000e+00 : f32
    %broadcast_in_dim3A_34 = vector.broadcast %broadcast_in_dim3A : f32 to vector<16xf32>
    %broadcast_in_dim3A_35 = arith.constant 0.000000e+00 : f32
    %broadcast_in_dim3A_36 = vector.broadcast %broadcast_in_dim3A_35 : f32 to vector<16xf32>
    %broadcast_in_dim3A_37 = arith.constant 0.000000e+00 : f32
    %broadcast_in_dim3A_38 = vector.broadcast %broadcast_in_dim3A_37 : f32 to vector<16xf32>
    %scan3A = arith.constant 0 : i32
    %scan3A_39 = arith.constant 64 : i32
    %scan3A_40 = arith.addi %scan3A, %scan3A_39 : i32
    %scan3A_41 = arith.constant 4 : i32
    %scan3A_42:3 = scf.for %scan3A_190 = %scan3A to %scan3A_40 step %scan3A_41 iter_args(%scan3A_191 = %broadcast_in_dim3A_34, %scan3A_192 = %broadcast_in_dim3A_36, %scan3A_193 = %broadcast_in_dim3A_38) -> (vector<16xf32>, vector<16xf32>, vector<16xf32>)  : i32 {
      %mul3A_194 = arith.constant 16 : i32
      %mul3A_195 = arith.muli %scan3A_190, %mul3A_194 : i32
      %multiple_of3A_196 = tpu.assume_multiple %mul3A_195, 16 : i32
      %get3A = arith.constant 0 : i32
      %get3A_197 = arith.index_cast %get3A : i32 to index
      %get3A_198 = arith.index_cast %multiple_of3A_196 : i32 to index
      %get3A_199 = tpu.vector_load %arg7[%get3A_197, %get3A_198] {strides = array<i32>} : memref<1x1024xf32, #tpu.memory_space<vmem>>, vector<16xf32>,
      %get3A_200 = arith.constant 0 : i32
      %get3A_201 = arith.index_cast %get3A_200 : i32 to index
      %get3A_202 = arith.index_cast %multiple_of3A_196 : i32 to index
      %get3A_203 = tpu.vector_load %arg6[%get3A_201, %get3A_202] {strides = array<i32>} : memref<3x1024xf32, #tpu.memory_space<vmem>>, vector<16xf32>,
      %mul3A_204 = arith.mulf %get3A_203, %get3A_199 : vector<16xf32>
      %add3A_205 = arith.addf %scan3A_191, %mul3A_204 : vector<16xf32>
      %get3A_206 = arith.constant 1 : i32
      %get3A_207 = arith.index_cast %get3A_206 : i32 to index
      %get3A_208 = arith.index_cast %multiple_of3A_196 : i32 to index
      %get3A_209 = tpu.vector_load %arg6[%get3A_207, %get3A_208] {strides = array<i32>} : memref<3x1024xf32, #tpu.memory_space<vmem>>, vector<16xf32>,
      %mul3A_210 = arith.mulf %get3A_209, %get3A_199 : vector<16xf32>
      %add3A_211 = arith.addf %scan3A_192, %mul3A_210 : vector<16xf32>
      %get3A_212 = arith.constant 2 : i32
      %get3A_213 = arith.index_cast %get3A_212 : i32 to index
      %get3A_214 = arith.index_cast %multiple_of3A_196 : i32 to index
      %get3A_215 = tpu.vector_load %arg6[%get3A_213, %get3A_214] {strides = array<i32>} : memref<3x1024xf32, #tpu.memory_space<vmem>>, vector<16xf32>,
      %mul3A_216 = arith.mulf %get3A_215, %get3A_199 : vector<16xf32>
      %add3A_217 = arith.addf %scan3A_193, %mul3A_216 : vector<16xf32>
      %scan3A_218 = arith.constant 1 : i32
      %scan3A_219 = arith.addi %scan3A_190, %scan3A_218 : i32
      %mul3A_220 = arith.constant 16 : i32
      %mul3A_221 = arith.muli %scan3A_219, %mul3A_220 : i32
      %multiple_of3A_222 = tpu.assume_multiple %mul3A_221, 16 : i32
      %get3A_223 = arith.constant 0 : i32
      %get3A_224 = arith.index_cast %get3A_223 : i32 to index
      %get3A_225 = arith.index_cast %multiple_of3A_222 : i32 to index
      %get3A_226 = tpu.vector_load %arg7[%get3A_224, %get3A_225] {strides = array<i32>} : memref<1x1024xf32, #tpu.memory_space<vmem>>, vector<16xf32>,
      %get3A_227 = arith.constant 0 : i32
      %get3A_228 = arith.index_cast %get3A_227 : i32 to index
      %get3A_229 = arith.index_cast %multiple_of3A_222 : i32 to index
      %get3A_230 = tpu.vector_load %arg6[%get3A_228, %get3A_229] {strides = array<i32>} : memref<3x1024xf32, #tpu.memory_space<vmem>>, vector<16xf32>,
      %mul3A_231 = arith.mulf %get3A_230, %get3A_226 : vector<16xf32>
      %add3A_232 = arith.addf %add3A_205, %mul3A_231 : vector<16xf32>
      %get3A_233 = arith.constant 1 : i32
      %get3A_234 = arith.index_cast %get3A_233 : i32 to index
      %get3A_235 = arith.index_cast %multiple_of3A_222 : i32 to index
      %get3A_236 = tpu.vector_load %arg6[%get3A_234, %get3A_235] {strides = array<i32>} : memref<3x1024xf32, #tpu.memory_space<vmem>>, vector<16xf32>,
      %mul3A_237 = arith.mulf %get3A_236, %get3A_226 : vector<16xf32>
      %add3A_238 = arith.addf %add3A_211, %mul3A_237 : vector<16xf32>
      %get3A_239 = arith.constant 2 : i32
      %get3A_240 = arith.index_cast %get3A_239 : i32 to index
      %get3A_241 = arith.index_cast %multiple_of3A_222 : i32 to index
      %get3A_242 = tpu.vector_load %arg6[%get3A_240, %get3A_241] {strides = array<i32>} : memref<3x1024xf32, #tpu.memory_space<vmem>>, vector<16xf32>,
      %mul3A_243 = arith.mulf %get3A_242, %get3A_226 : vector<16xf32>
      %add3A_244 = arith.addf %add3A_217, %mul3A_243 : vector<16xf32>
      %scan3A_245 = arith.constant 2 : i32
      %scan3A_246 = arith.addi %scan3A_190, %scan3A_245 : i32
      %mul3A_247 = arith.constant 16 : i32
      %mul3A_248 = arith.muli %scan3A_246, %mul3A_247 : i32
      %multiple_of3A_249 = tpu.assume_multiple %mul3A_248, 16 : i32
      %get3A_250 = arith.constant 0 : i32
      %get3A_251 = arith.index_cast %get3A_250 : i32 to index
      %get3A_252 = arith.index_cast %multiple_of3A_249 : i32 to index
      %get3A_253 = tpu.vector_load %arg7[%get3A_251, %get3A_252] {strides = array<i32>} : memref<1x1024xf32, #tpu.memory_space<vmem>>, vector<16xf32>,
      %get3A_254 = arith.constant 0 : i32
      %get3A_255 = arith.index_cast %get3A_254 : i32 to index
      %get3A_256 = arith.index_cast %multiple_of3A_249 : i32 to index
      %get3A_257 = tpu.vector_load %arg6[%get3A_255, %get3A_256] {strides = array<i32>} : memref<3x1024xf32, #tpu.memory_space<vmem>>, vector<16xf32>,
      %mul3A_258 = arith.mulf %get3A_257, %get3A_253 : vector<16xf32>
      %add3A_259 = arith.addf %add3A_232, %mul3A_258 : vector<16xf32>
      %get3A_260 = arith.constant 1 : i32
      %get3A_261 = arith.index_cast %get3A_260 : i32 to index
      %get3A_262 = arith.index_cast %multiple_of3A_249 : i32 to index
      %get3A_263 = tpu.vector_load %arg6[%get3A_261, %get3A_262] {strides = array<i32>} : memref<3x1024xf32, #tpu.memory_space<vmem>>, vector<16xf32>,
      %mul3A_264 = arith.mulf %get3A_263, %get3A_253 : vector<16xf32>
      %add3A_265 = arith.addf %add3A_238, %mul3A_264 : vector<16xf32>
      %get3A_266 = arith.constant 2 : i32
      %get3A_267 = arith.index_cast %get3A_266 : i32 to index
      %get3A_268 = arith.index_cast %multiple_of3A_249 : i32 to index
      %get3A_269 = tpu.vector_load %arg6[%get3A_267, %get3A_268] {strides = array<i32>} : memref<3x1024xf32, #tpu.memory_space<vmem>>, vector<16xf32>,
      %mul3A_270 = arith.mulf %get3A_269, %get3A_253 : vector<16xf32>
      %add3A_271 = arith.addf %add3A_244, %mul3A_270 : vector<16xf32>
      %scan3A_272 = arith.constant 3 : i32
      %scan3A_273 = arith.addi %scan3A_190, %scan3A_272 : i32
      %mul3A_274 = arith.constant 16 : i32
      %mul3A_275 = arith.muli %scan3A_273, %mul3A_274 : i32
      %multiple_of3A_276 = tpu.assume_multiple %mul3A_275, 16 : i32
      %get3A_277 = arith.constant 0 : i32
      %get3A_278 = arith.index_cast %get3A_277 : i32 to index
      %get3A_279 = arith.index_cast %multiple_of3A_276 : i32 to index
      %get3A_280 = tpu.vector_load %arg7[%get3A_278, %get3A_279] {strides = array<i32>} : memref<1x1024xf32, #tpu.memory_space<vmem>>, vector<16xf32>,
      %get3A_281 = arith.constant 0 : i32
      %get3A_282 = arith.index_cast %get3A_281 : i32 to index
      %get3A_283 = arith.index_cast %multiple_of3A_276 : i32 to index
      %get3A_284 = tpu.vector_load %arg6[%get3A_282, %get3A_283] {strides = array<i32>} : memref<3x1024xf32, #tpu.memory_space<vmem>>, vector<16xf32>,
      %mul3A_285 = arith.mulf %get3A_284, %get3A_280 : vector<16xf32>
      %add3A_286 = arith.addf %add3A_259, %mul3A_285 : vector<16xf32>
      %get3A_287 = arith.constant 1 : i32
      %get3A_288 = arith.index_cast %get3A_287 : i32 to index
      %get3A_289 = arith.index_cast %multiple_of3A_276 : i32 to index
      %get3A_290 = tpu.vector_load %arg6[%get3A_288, %get3A_289] {strides = array<i32>} : memref<3x1024xf32, #tpu.memory_space<vmem>>, vector<16xf32>,
      %mul3A_291 = arith.mulf %get3A_290, %get3A_280 : vector<16xf32>
      %add3A_292 = arith.addf %add3A_265, %mul3A_291 : vector<16xf32>
      %get3A_293 = arith.constant 2 : i32
      %get3A_294 = arith.index_cast %get3A_293 : i32 to index
      %get3A_295 = arith.index_cast %multiple_of3A_276 : i32 to index
      %get3A_296 = tpu.vector_load %arg6[%get3A_294, %get3A_295] {strides = array<i32>} : memref<3x1024xf32, #tpu.memory_space<vmem>>, vector<16xf32>,
      %mul3A_297 = arith.mulf %get3A_296, %get3A_280 : vector<16xf32>
      %add3A_298 = arith.addf %add3A_271, %mul3A_297 : vector<16xf32>
      scf.yield %add3A_286, %add3A_292, %add3A_298 : vector<16xf32>, vector<16xf32>, vector<16xf32>
    }
    %scan3A_43 = arith.constant 64 : i32
    %iota3A = tpu.iota {dimensions = array<i32: 0>} : vector<16xi32>
    %swap3A = arith.constant 0 : index
    %swap3A_44 = tpu.vector_load %arg10[%swap3A] {strides = array<i32>} : memref<16xf32, #tpu.memory_space<vmem>>, vector<16xf32>,
    tpu.vector_store %arg10[%swap3A], %scan3A_42#0 {strides = array<i32>} : memref<16xf32, #tpu.memory_space<vmem>>, vector<16xf32>,
    %xor3A = arith.constant 1 : i32
    %xor3A_45 = vector.broadcast %xor3A : i32 to vector<16xi32>
    %xor3A_46 = arith.xori %iota3A, %xor3A_45 : vector<16xi32>
    %gather3A = tpu.vector_load_idx %arg10[%xor3A_46] : memref<16xf32, #tpu.memory_space<vmem>>[vector<16xi32>], vector<16xf32>,
    %add3A_47 = arith.addf %scan3A_42#0, %gather3A : vector<16xf32>
    %swap3A_48 = arith.constant 0 : index
    %swap3A_49 = tpu.vector_load %arg10[%swap3A_48] {strides = array<i32>} : memref<16xf32, #tpu.memory_space<vmem>>, vector<16xf32>,
    tpu.vector_store %arg10[%swap3A_48], %add3A_47 {strides = array<i32>} : memref<16xf32, #tpu.memory_space<vmem>>, vector<16xf32>,
    %xor3A_50 = arith.constant 2 : i32
    %xor3A_51 = vector.broadcast %xor3A_50 : i32 to vector<16xi32>
    %xor3A_52 = arith.xori %iota3A, %xor3A_51 : vector<16xi32>
    %gather3A_53 = tpu.vector_load_idx %arg10[%xor3A_52] : memref<16xf32, #tpu.memory_space<vmem>>[vector<16xi32>], vector<16xf32>,
    %add3A_54 = arith.addf %add3A_47, %gather3A_53 : vector<16xf32>
    %swap3A_55 = arith.constant 0 : index
    %swap3A_56 = tpu.vector_load %arg10[%swap3A_55] {strides = array<i32>} : memref<16xf32, #tpu.memory_space<vmem>>, vector<16xf32>,
    tpu.vector_store %arg10[%swap3A_55], %add3A_54 {strides = array<i32>} : memref<16xf32, #tpu.memory_space<vmem>>, vector<16xf32>,
    %xor3A_57 = arith.constant 4 : i32
    %xor3A_58 = vector.broadcast %xor3A_57 : i32 to vector<16xi32>
    %xor3A_59 = arith.xori %iota3A, %xor3A_58 : vector<16xi32>
    %gather3A_60 = tpu.vector_load_idx %arg10[%xor3A_59] : memref<16xf32, #tpu.memory_space<vmem>>[vector<16xi32>], vector<16xf32>,
    %add3A_61 = arith.addf %add3A_54, %gather3A_60 : vector<16xf32>
    %swap3A_62 = arith.constant 0 : index
    %swap3A_63 = tpu.vector_load %arg10[%swap3A_62] {strides = array<i32>} : memref<16xf32, #tpu.memory_space<vmem>>, vector<16xf32>,
    tpu.vector_store %arg10[%swap3A_62], %add3A_61 {strides = array<i32>} : memref<16xf32, #tpu.memory_space<vmem>>, vector<16xf32>,
    %xor3A_64 = arith.constant 8 : i32
    %xor3A_65 = vector.broadcast %xor3A_64 : i32 to vector<16xi32>
    %xor3A_66 = arith.xori %iota3A, %xor3A_65 : vector<16xi32>
    %gather3A_67 = tpu.vector_load_idx %arg10[%xor3A_66] : memref<16xf32, #tpu.memory_space<vmem>>[vector<16xi32>], vector<16xf32>,
    %add3A_68 = arith.addf %add3A_61, %gather3A_67 : vector<16xf32>
    %swap3A_69 = arith.constant 0 : index
    %swap3A_70 = tpu.vector_load %arg10[%swap3A_69] {strides = array<i32>} : memref<16xf32, #tpu.memory_space<vmem>>, vector<16xf32>,
    tpu.vector_store %arg10[%swap3A_69], %scan3A_42#1 {strides = array<i32>} : memref<16xf32, #tpu.memory_space<vmem>>, vector<16xf32>,
    %xor3A_71 = arith.constant 1 : i32
    %xor3A_72 = vector.broadcast %xor3A_71 : i32 to vector<16xi32>
    %xor3A_73 = arith.xori %iota3A, %xor3A_72 : vector<16xi32>
    %gather3A_74 = tpu.vector_load_idx %arg10[%xor3A_73] : memref<16xf32, #tpu.memory_space<vmem>>[vector<16xi32>], vector<16xf32>,
    %add3A_75 = arith.addf %scan3A_42#1, %gather3A_74 : vector<16xf32>
    %swap3A_76 = arith.constant 0 : index
    %swap3A_77 = tpu.vector_load %arg10[%swap3A_76] {strides = array<i32>} : memref<16xf32, #tpu.memory_space<vmem>>, vector<16xf32>,
    tpu.vector_store %arg10[%swap3A_76], %add3A_75 {strides = array<i32>} : memref<16xf32, #tpu.memory_space<vmem>>, vector<16xf32>,
    %xor3A_78 = arith.constant 2 : i32
    %xor3A_79 = vector.broadcast %xor3A_78 : i32 to vector<16xi32>
    %xor3A_80 = arith.xori %iota3A, %xor3A_79 : vector<16xi32>
    %gather3A_81 = tpu.vector_load_idx %arg10[%xor3A_80] : memref<16xf32, #tpu.memory_space<vmem>>[vector<16xi32>], vector<16xf32>,
    %add3A_82 = arith.addf %add3A_75, %gather3A_81 : vector<16xf32>
    %swap3A_83 = arith.constant 0 : index
    %swap3A_84 = tpu.vector_load %arg10[%swap3A_83] {strides = array<i32>} : memref<16xf32, #tpu.memory_space<vmem>>, vector<16xf32>,
    tpu.vector_store %arg10[%swap3A_83], %add3A_82 {strides = array<i32>} : memref<16xf32, #tpu.memory_space<vmem>>, vector<16xf32>,
    %xor3A_85 = arith.constant 4 : i32
    %xor3A_86 = vector.broadcast %xor3A_85 : i32 to vector<16xi32>
    %xor3A_87 = arith.xori %iota3A, %xor3A_86 : vector<16xi32>
    %gather3A_88 = tpu.vector_load_idx %arg10[%xor3A_87] : memref<16xf32, #tpu.memory_space<vmem>>[vector<16xi32>], vector<16xf32>,
    %add3A_89 = arith.addf %add3A_82, %gather3A_88 : vector<16xf32>
    %swap3A_90 = arith.constant 0 : index
    %swap3A_91 = tpu.vector_load %arg10[%swap3A_90] {strides = array<i32>} : memref<16xf32, #tpu.memory_space<vmem>>, vector<16xf32>,
    tpu.vector_store %arg10[%swap3A_90], %add3A_89 {strides = array<i32>} : memref<16xf32, #tpu.memory_space<vmem>>, vector<16xf32>,
    %xor3A_92 = arith.constant 8 : i32
    %xor3A_93 = vector.broadcast %xor3A_92 : i32 to vector<16xi32>
    %xor3A_94 = arith.xori %iota3A, %xor3A_93 : vector<16xi32>
    %gather3A_95 = tpu.vector_load_idx %arg10[%xor3A_94] : memref<16xf32, #tpu.memory_space<vmem>>[vector<16xi32>], vector<16xf32>,
    %add3A_96 = arith.addf %add3A_89, %gather3A_95 : vector<16xf32>
    %swap3A_97 = arith.constant 0 : index
    %swap3A_98 = tpu.vector_load %arg10[%swap3A_97] {strides = array<i32>} : memref<16xf32, #tpu.memory_space<vmem>>, vector<16xf32>,
    tpu.vector_store %arg10[%swap3A_97], %scan3A_42#2 {strides = array<i32>} : memref<16xf32, #tpu.memory_space<vmem>>, vector<16xf32>,
    %xor3A_99 = arith.constant 1 : i32
    %xor3A_100 = vector.broadcast %xor3A_99 : i32 to vector<16xi32>
    %xor3A_101 = arith.xori %iota3A, %xor3A_100 : vector<16xi32>
    %gather3A_102 = tpu.vector_load_idx %arg10[%xor3A_101] : memref<16xf32, #tpu.memory_space<vmem>>[vector<16xi32>], vector<16xf32>,
    %add3A_103 = arith.addf %scan3A_42#2, %gather3A_102 : vector<16xf32>
    %swap3A_104 = arith.constant 0 : index
    %swap3A_105 = tpu.vector_load %arg10[%swap3A_104] {strides = array<i32>} : memref<16xf32, #tpu.memory_space<vmem>>, vector<16xf32>,
    tpu.vector_store %arg10[%swap3A_104], %add3A_103 {strides = array<i32>} : memref<16xf32, #tpu.memory_space<vmem>>, vector<16xf32>,
    %xor3A_106 = arith.constant 2 : i32
    %xor3A_107 = vector.broadcast %xor3A_106 : i32 to vector<16xi32>
    %xor3A_108 = arith.xori %iota3A, %xor3A_107 : vector<16xi32>
    %gather3A_109 = tpu.vector_load_idx %arg10[%xor3A_108] : memref<16xf32, #tpu.memory_space<vmem>>[vector<16xi32>], vector<16xf32>,
    %add3A_110 = arith.addf %add3A_103, %gather3A_109 : vector<16xf32>
    %swap3A_111 = arith.constant 0 : index
    %swap3A_112 = tpu.vector_load %arg10[%swap3A_111] {strides = array<i32>} : memref<16xf32, #tpu.memory_space<vmem>>, vector<16xf32>,
    tpu.vector_store %arg10[%swap3A_111], %add3A_110 {strides = array<i32>} : memref<16xf32, #tpu.memory_space<vmem>>, vector<16xf32>,
    %xor3A_113 = arith.constant 4 : i32
    %xor3A_114 = vector.broadcast %xor3A_113 : i32 to vector<16xi32>
    %xor3A_115 = arith.xori %iota3A, %xor3A_114 : vector<16xi32>
    %gather3A_116 = tpu.vector_load_idx %arg10[%xor3A_115] : memref<16xf32, #tpu.memory_space<vmem>>[vector<16xi32>], vector<16xf32>,
    %add3A_117 = arith.addf %add3A_110, %gather3A_116 : vector<16xf32>
    %swap3A_118 = arith.constant 0 : index
    %swap3A_119 = tpu.vector_load %arg10[%swap3A_118] {strides = array<i32>} : memref<16xf32, #tpu.memory_space<vmem>>, vector<16xf32>,
    tpu.vector_store %arg10[%swap3A_118], %add3A_117 {strides = array<i32>} : memref<16xf32, #tpu.memory_space<vmem>>, vector<16xf32>,
    %xor3A_120 = arith.constant 8 : i32
    %xor3A_121 = vector.broadcast %xor3A_120 : i32 to vector<16xi32>
    %xor3A_122 = arith.xori %iota3A, %xor3A_121 : vector<16xi32>
    %gather3A_123 = tpu.vector_load_idx %arg10[%xor3A_122] : memref<16xf32, #tpu.memory_space<vmem>>[vector<16xi32>], vector<16xf32>,
    %add3A_124 = arith.addf %add3A_117, %gather3A_123 : vector<16xf32>
    %eq3A_125 = arith.constant 1 : i32
    %eq3A_126 = vector.broadcast %eq3A_125 : i32 to vector<16xi32>
    %eq3A_127 = arith.cmpi eq, %iota3A, %eq3A_126 : vector<16xi32>
    %select_n3A_128 = arith.select %eq3A_127, %add3A_96, %add3A_124 : vector<16xi1>, vector<16xf32>
    %eq3A_129 = arith.constant 0 : i32
    %eq3A_130 = vector.broadcast %eq3A_129 : i32 to vector<16xi32>
    %eq3A_131 = arith.cmpi eq, %iota3A, %eq3A_130 : vector<16xi32>
    %select_n3A_132 = arith.select %eq3A_131, %add3A_68, %select_n3A_128 : vector<16xi1>, vector<16xf32>
    %swap3A_133 = arith.constant 0 : index
    %swap3A_134 = tpu.vector_load %arg10[%swap3A_133] {strides = array<i32>} : memref<16xf32, #tpu.memory_space<vmem>>, vector<16xf32>,
    tpu.vector_store %arg10[%swap3A_133], %select_n3A_132 {strides = array<i32>} : memref<16xf32, #tpu.memory_space<vmem>>, vector<16xf32>,
    %dma_wait3A = tpu.memref_slice %arg4[%select_n3A, %multiple_of3A] : memref<4x131072xi32, #tpu.memory_space<hbm>> -> memref<1x16384xi32, #tpu.memory_space<hbm>>
    %dma_wait3A_135 = tpu.memref_slice %arg4[%select_n3A, %multiple_of3A] : memref<4x131072xi32, #tpu.memory_space<hbm>> -> memref<1x16384xi32, #tpu.memory_space<hbm>>
    tpu.wait_dma2 semaphore(%arg11 : memref<!tpu.dma_semaphore, #tpu.memory_space<semaphore_mem>>) src(%dma_wait3A_135 : memref<1x16384xi32, #tpu.memory_space<hbm>>) dst(%arg8 : memref<1x16384xi32, #tpu.memory_space<vmem>>)
    %scan3A_136 = arith.constant 0 : i32
    %scan3A_137 = arith.constant 0 : i32
    %scan3A_138 = arith.constant 256 : i32
    %scan3A_139 = arith.addi %scan3A_137, %scan3A_138 : i32
    %scan3A_140 = arith.constant 4 : i32
    scf.for %scan3A_190 = %scan3A_137 to %scan3A_139 step %scan3A_140  : i32 {
      %mul3A_191 = arith.constant 16 : i32
      %mul3A_192 = arith.muli %scan3A_190, %mul3A_191 : i32
      %add3A_193 = arith.constant 0 : i32
      %add3A_194 = arith.addi %add3A_193, %mul3A_192 : i32
      %multiple_of3A_195 = tpu.assume_multiple %add3A_194, 16 : i32
      %get3A = arith.constant 0 : i32
      %get3A_196 = arith.index_cast %get3A : i32 to index
      %get3A_197 = arith.index_cast %multiple_of3A_195 : i32 to index
      %get3A_198 = tpu.vector_load %arg8[%get3A_196, %get3A_197] {strides = array<i32>} : memref<1x16384xi32, #tpu.memory_space<vmem>>, vector<16xi32>,
      %gather3A_199 = tpu.vector_load_idx %arg10[%get3A_198] : memref<16xf32, #tpu.memory_space<vmem>>[vector<16xi32>], vector<16xf32>,
      %swap3A_200 = arith.constant 0 : i32
      %swap3A_201 = arith.constant 0 : i32
      %swap3A_202 = arith.index_cast %swap3A_200 : i32 to index
      %swap3A_203 = arith.index_cast %swap3A_201 : i32 to index
      %swap3A_204 = arith.index_cast %multiple_of3A_195 : i32 to index
      %swap3A_205 = tpu.vector_load %arg9[%swap3A_202, %swap3A_203, %swap3A_204] {strides = array<i32>} : memref<1x1x16384xf32, #tpu.memory_space<vmem>>, vector<16xf32>,
      tpu.vector_store %arg9[%swap3A_202, %swap3A_203, %swap3A_204], %gather3A_199 {strides = array<i32>} : memref<1x1x16384xf32, #tpu.memory_space<vmem>>, vector<16xf32>,
      %scan3A_206 = arith.constant 1 : i32
      %scan3A_207 = arith.addi %scan3A_190, %scan3A_206 : i32
      %mul3A_208 = arith.constant 16 : i32
      %mul3A_209 = arith.muli %scan3A_207, %mul3A_208 : i32
      %add3A_210 = arith.constant 0 : i32
      %add3A_211 = arith.addi %add3A_210, %mul3A_209 : i32
      %multiple_of3A_212 = tpu.assume_multiple %add3A_211, 16 : i32
      %get3A_213 = arith.constant 0 : i32
      %get3A_214 = arith.index_cast %get3A_213 : i32 to index
      %get3A_215 = arith.index_cast %multiple_of3A_212 : i32 to index
      %get3A_216 = tpu.vector_load %arg8[%get3A_214, %get3A_215] {strides = array<i32>} : memref<1x16384xi32, #tpu.memory_space<vmem>>, vector<16xi32>,
      %gather3A_217 = tpu.vector_load_idx %arg10[%get3A_216] : memref<16xf32, #tpu.memory_space<vmem>>[vector<16xi32>], vector<16xf32>,
      %swap3A_218 = arith.constant 0 : i32
      %swap3A_219 = arith.constant 0 : i32
      %swap3A_220 = arith.index_cast %swap3A_218 : i32 to index
      %swap3A_221 = arith.index_cast %swap3A_219 : i32 to index
      %swap3A_222 = arith.index_cast %multiple_of3A_212 : i32 to index
      %swap3A_223 = tpu.vector_load %arg9[%swap3A_220, %swap3A_221, %swap3A_222] {strides = array<i32>} : memref<1x1x16384xf32, #tpu.memory_space<vmem>>, vector<16xf32>,
      tpu.vector_store %arg9[%swap3A_220, %swap3A_221, %swap3A_222], %gather3A_217 {strides = array<i32>} : memref<1x1x16384xf32, #tpu.memory_space<vmem>>, vector<16xf32>,
      %scan3A_224 = arith.constant 2 : i32
      %scan3A_225 = arith.addi %scan3A_190, %scan3A_224 : i32
      %mul3A_226 = arith.constant 16 : i32
      %mul3A_227 = arith.muli %scan3A_225, %mul3A_226 : i32
      %add3A_228 = arith.constant 0 : i32
      %add3A_229 = arith.addi %add3A_228, %mul3A_227 : i32
      %multiple_of3A_230 = tpu.assume_multiple %add3A_229, 16 : i32
      %get3A_231 = arith.constant 0 : i32
      %get3A_232 = arith.index_cast %get3A_231 : i32 to index
      %get3A_233 = arith.index_cast %multiple_of3A_230 : i32 to index
      %get3A_234 = tpu.vector_load %arg8[%get3A_232, %get3A_233] {strides = array<i32>} : memref<1x16384xi32, #tpu.memory_space<vmem>>, vector<16xi32>,
      %gather3A_235 = tpu.vector_load_idx %arg10[%get3A_234] : memref<16xf32, #tpu.memory_space<vmem>>[vector<16xi32>], vector<16xf32>,
      %swap3A_236 = arith.constant 0 : i32
      %swap3A_237 = arith.constant 0 : i32
      %swap3A_238 = arith.index_cast %swap3A_236 : i32 to index
      %swap3A_239 = arith.index_cast %swap3A_237 : i32 to index
      %swap3A_240 = arith.index_cast %multiple_of3A_230 : i32 to index
      %swap3A_241 = tpu.vector_load %arg9[%swap3A_238, %swap3A_239, %swap3A_240] {strides = array<i32>} : memref<1x1x16384xf32, #tpu.memory_space<vmem>>, vector<16xf32>,
      tpu.vector_store %arg9[%swap3A_238, %swap3A_239, %swap3A_240], %gather3A_235 {strides = array<i32>} : memref<1x1x16384xf32, #tpu.memory_space<vmem>>, vector<16xf32>,
      %scan3A_242 = arith.constant 3 : i32
      %scan3A_243 = arith.addi %scan3A_190, %scan3A_242 : i32
      %mul3A_244 = arith.constant 16 : i32
      %mul3A_245 = arith.muli %scan3A_243, %mul3A_244 : i32
      %add3A_246 = arith.constant 0 : i32
      %add3A_247 = arith.addi %add3A_246, %mul3A_245 : i32
      %multiple_of3A_248 = tpu.assume_multiple %add3A_247, 16 : i32
      %get3A_249 = arith.constant 0 : i32
      %get3A_250 = arith.index_cast %get3A_249 : i32 to index
      %get3A_251 = arith.index_cast %multiple_of3A_248 : i32 to index
      %get3A_252 = tpu.vector_load %arg8[%get3A_250, %get3A_251] {strides = array<i32>} : memref<1x16384xi32, #tpu.memory_space<vmem>>, vector<16xi32>,
      %gather3A_253 = tpu.vector_load_idx %arg10[%get3A_252] : memref<16xf32, #tpu.memory_space<vmem>>[vector<16xi32>], vector<16xf32>,
      %swap3A_254 = arith.constant 0 : i32
      %swap3A_255 = arith.constant 0 : i32
      %swap3A_256 = arith.index_cast %swap3A_254 : i32 to index
      %swap3A_257 = arith.index_cast %swap3A_255 : i32 to index
      %swap3A_258 = arith.index_cast %multiple_of3A_248 : i32 to index
      %swap3A_259 = tpu.vector_load %arg9[%swap3A_256, %swap3A_257, %swap3A_258] {strides = array<i32>} : memref<1x1x16384xf32, #tpu.memory_space<vmem>>, vector<16xf32>,
      tpu.vector_store %arg9[%swap3A_256, %swap3A_257, %swap3A_258], %gather3A_253 {strides = array<i32>} : memref<1x1x16384xf32, #tpu.memory_space<vmem>>, vector<16xf32>,
    }
    %scan3A_141 = arith.constant 256 : i32
    %scan3A_142 = arith.constant 0 : i32
    %scan3A_143 = arith.constant 0 : i32
    %scan3A_144 = arith.constant 16 : i32
    %scan3A_145 = arith.addi %scan3A_143, %scan3A_144 : i32
    %scan3A_146 = arith.constant 1 : i32
    scf.for %scan3A_190 = %scan3A_143 to %scan3A_145 step %scan3A_146  : i32 {
      %add3A_191 = arith.constant 0 : i32
      %add3A_192 = arith.addi %multiple_of3A, %add3A_191 : i32
      %dma_start3A_193 = arith.constant 0 : i32
      %dma_start3A_194 = arith.constant 0 : i32
      %dma_start3A_195 = arith.constant 0 : i32
      %dma_start3A_196 = tpu.memref_slice %arg9[%dma_start3A_193, %dma_start3A_194, %dma_start3A_195] : memref<1x1x16384xf32, #tpu.memory_space<vmem>> -> memref<1x1x4096xf32, #tpu.memory_space<vmem>>
      %dma_start3A_197 = tpu.memref_slice %arg5[%select_n3A, %scan3A_190, %add3A_192] : memref<4x16x131072xf32, #tpu.memory_space<hbm>> -> memref<1x1x4096xf32, #tpu.memory_space<hbm>>
      %dma_start3A_198 = tpu.memref_slice %arg5[%select_n3A, %scan3A_190, %add3A_192] : memref<4x16x131072xf32, #tpu.memory_space<hbm>> -> memref<1x1x4096xf32, #tpu.memory_space<hbm>>
      %dma_start3A_199 = arith.constant 0 : i32
      %dma_start3A_200 = arith.constant 0 : i32
      %dma_start3A_201 = arith.constant 0 : i32
      %dma_start3A_202 = tpu.memref_slice %arg9[%dma_start3A_199, %dma_start3A_200, %dma_start3A_201] : memref<1x1x16384xf32, #tpu.memory_space<vmem>> -> memref<1x1x4096xf32, #tpu.memory_space<vmem>>
      tpu.enqueue_dma source(%dma_start3A_202 : memref<1x1x4096xf32, #tpu.memory_space<vmem>>) target(%dma_start3A_198 : memref<1x1x4096xf32, #tpu.memory_space<hbm>>) target_semaphore(%arg12 : memref<!tpu.dma_semaphore, #tpu.memory_space<semaphore_mem>>)
    }
    %scan3A_147 = arith.constant 16 : i32
    %scan3A_148 = arith.constant 0 : i32
    %scan3A_149 = arith.constant 0 : i32
    %scan3A_150 = arith.constant 256 : i32
    %scan3A_151 = arith.addi %scan3A_149, %scan3A_150 : i32
    %scan3A_152 = arith.constant 4 : i32
    scf.for %scan3A_190 = %scan3A_149 to %scan3A_151 step %scan3A_152  : i32 {
      %mul3A_191 = arith.constant 16 : i32
      %mul3A_192 = arith.muli %scan3A_190, %mul3A_191 : i32
      %add3A_193 = arith.constant 4096 : i32
      %add3A_194 = arith.addi %add3A_193, %mul3A_192 : i32
      %multiple_of3A_195 = tpu.assume_multiple %add3A_194, 16 : i32
      %get3A = arith.constant 0 : i32
      %get3A_196 = arith.index_cast %get3A : i32 to index
      %get3A_197 = arith.index_cast %multiple_of3A_195 : i32 to index
      %get3A_198 = tpu.vector_load %arg8[%get3A_196, %get3A_197] {strides = array<i32>} : memref<1x16384xi32, #tpu.memory_space<vmem>>, vector<16xi32>,
      %gather3A_199 = tpu.vector_load_idx %arg10[%get3A_198] : memref<16xf32, #tpu.memory_space<vmem>>[vector<16xi32>], vector<16xf32>,
      %swap3A_200 = arith.constant 0 : i32
      %swap3A_201 = arith.constant 0 : i32
      %swap3A_202 = arith.index_cast %swap3A_200 : i32 to index
      %swap3A_203 = arith.index_cast %swap3A_201 : i32 to index
      %swap3A_204 = arith.index_cast %multiple_of3A_195 : i32 to index
      %swap3A_205 = tpu.vector_load %arg9[%swap3A_202, %swap3A_203, %swap3A_204] {strides = array<i32>} : memref<1x1x16384xf32, #tpu.memory_space<vmem>>, vector<16xf32>,
      tpu.vector_store %arg9[%swap3A_202, %swap3A_203, %swap3A_204], %gather3A_199 {strides = array<i32>} : memref<1x1x16384xf32, #tpu.memory_space<vmem>>, vector<16xf32>,
      %scan3A_206 = arith.constant 1 : i32
      %scan3A_207 = arith.addi %scan3A_190, %scan3A_206 : i32
      %mul3A_208 = arith.constant 16 : i32
      %mul3A_209 = arith.muli %scan3A_207, %mul3A_208 : i32
      %add3A_210 = arith.constant 4096 : i32
      %add3A_211 = arith.addi %add3A_210, %mul3A_209 : i32
      %multiple_of3A_212 = tpu.assume_multiple %add3A_211, 16 : i32
      %get3A_213 = arith.constant 0 : i32
      %get3A_214 = arith.index_cast %get3A_213 : i32 to index
      %get3A_215 = arith.index_cast %multiple_of3A_212 : i32 to index
      %get3A_216 = tpu.vector_load %arg8[%get3A_214, %get3A_215] {strides = array<i32>} : memref<1x16384xi32, #tpu.memory_space<vmem>>, vector<16xi32>,
      %gather3A_217 = tpu.vector_load_idx %arg10[%get3A_216] : memref<16xf32, #tpu.memory_space<vmem>>[vector<16xi32>], vector<16xf32>,
      %swap3A_218 = arith.constant 0 : i32
      %swap3A_219 = arith.constant 0 : i32
      %swap3A_220 = arith.index_cast %swap3A_218 : i32 to index
      %swap3A_221 = arith.index_cast %swap3A_219 : i32 to index
      %swap3A_222 = arith.index_cast %multiple_of3A_212 : i32 to index
      %swap3A_223 = tpu.vector_load %arg9[%swap3A_220, %swap3A_221, %swap3A_222] {strides = array<i32>} : memref<1x1x16384xf32, #tpu.memory_space<vmem>>, vector<16xf32>,
      tpu.vector_store %arg9[%swap3A_220, %swap3A_221, %swap3A_222], %gather3A_217 {strides = array<i32>} : memref<1x1x16384xf32, #tpu.memory_space<vmem>>, vector<16xf32>,
      %scan3A_224 = arith.constant 2 : i32
      %scan3A_225 = arith.addi %scan3A_190, %scan3A_224 : i32
      %mul3A_226 = arith.constant 16 : i32
      %mul3A_227 = arith.muli %scan3A_225, %mul3A_226 : i32
      %add3A_228 = arith.constant 4096 : i32
      %add3A_229 = arith.addi %add3A_228, %mul3A_227 : i32
      %multiple_of3A_230 = tpu.assume_multiple %add3A_229, 16 : i32
      %get3A_231 = arith.constant 0 : i32
      %get3A_232 = arith.index_cast %get3A_231 : i32 to index
      %get3A_233 = arith.index_cast %multiple_of3A_230 : i32 to index
      %get3A_234 = tpu.vector_load %arg8[%get3A_232, %get3A_233] {strides = array<i32>} : memref<1x16384xi32, #tpu.memory_space<vmem>>, vector<16xi32>,
      %gather3A_235 = tpu.vector_load_idx %arg10[%get3A_234] : memref<16xf32, #tpu.memory_space<vmem>>[vector<16xi32>], vector<16xf32>,
      %swap3A_236 = arith.constant 0 : i32
      %swap3A_237 = arith.constant 0 : i32
      %swap3A_238 = arith.index_cast %swap3A_236 : i32 to index
      %swap3A_239 = arith.index_cast %swap3A_237 : i32 to index
      %swap3A_240 = arith.index_cast %multiple_of3A_230 : i32 to index
      %swap3A_241 = tpu.vector_load %arg9[%swap3A_238, %swap3A_239, %swap3A_240] {strides = array<i32>} : memref<1x1x16384xf32, #tpu.memory_space<vmem>>, vector<16xf32>,
      tpu.vector_store %arg9[%swap3A_238, %swap3A_239, %swap3A_240], %gather3A_235 {strides = array<i32>} : memref<1x1x16384xf32, #tpu.memory_space<vmem>>, vector<16xf32>,
      %scan3A_242 = arith.constant 3 : i32
      %scan3A_243 = arith.addi %scan3A_190, %scan3A_242 : i32
      %mul3A_244 = arith.constant 16 : i32
      %mul3A_245 = arith.muli %scan3A_243, %mul3A_244 : i32
      %add3A_246 = arith.constant 4096 : i32
      %add3A_247 = arith.addi %add3A_246, %mul3A_245 : i32
      %multiple_of3A_248 = tpu.assume_multiple %add3A_247, 16 : i32
      %get3A_249 = arith.constant 0 : i32
      %get3A_250 = arith.index_cast %get3A_249 : i32 to index
      %get3A_251 = arith.index_cast %multiple_of3A_248 : i32 to index
      %get3A_252 = tpu.vector_load %arg8[%get3A_250, %get3A_251] {strides = array<i32>} : memref<1x16384xi32, #tpu.memory_space<vmem>>, vector<16xi32>,
      %gather3A_253 = tpu.vector_load_idx %arg10[%get3A_252] : memref<16xf32, #tpu.memory_space<vmem>>[vector<16xi32>], vector<16xf32>,
      %swap3A_254 = arith.constant 0 : i32
      %swap3A_255 = arith.constant 0 : i32
      %swap3A_256 = arith.index_cast %swap3A_254 : i32 to index
      %swap3A_257 = arith.index_cast %swap3A_255 : i32 to index
      %swap3A_258 = arith.index_cast %multiple_of3A_248 : i32 to index
      %swap3A_259 = tpu.vector_load %arg9[%swap3A_256, %swap3A_257, %swap3A_258] {strides = array<i32>} : memref<1x1x16384xf32, #tpu.memory_space<vmem>>, vector<16xf32>,
      tpu.vector_store %arg9[%swap3A_256, %swap3A_257, %swap3A_258], %gather3A_253 {strides = array<i32>} : memref<1x1x16384xf32, #tpu.memory_space<vmem>>, vector<16xf32>,
    }
    %scan3A_153 = arith.constant 256 : i32
    %scan3A_154 = arith.constant 0 : i32
    %scan3A_155 = arith.constant 0 : i32
    %scan3A_156 = arith.constant 16 : i32
    %scan3A_157 = arith.addi %scan3A_155, %scan3A_156 : i32
    %scan3A_158 = arith.constant 1 : i32
    scf.for %scan3A_190 = %scan3A_155 to %scan3A_157 step %scan3A_158  : i32 {
      %add3A_191 = arith.constant 4096 : i32
      %add3A_192 = arith.addi %multiple_of3A, %add3A_191 : i32
      %dma_start3A_193 = arith.constant 0 : i32
      %dma_start3A_194 = arith.constant 0 : i32
      %dma_start3A_195 = arith.constant 4096 : i32
      %dma_start3A_196 = tpu.memref_slice %arg9[%dma_start3A_193, %dma_start3A_194, %dma_start3A_195] : memref<1x1x16384xf32, #tpu.memory_space<vmem>> -> memref<1x1x4096xf32, #tpu.memory_space<vmem>>
      %dma_start3A_197 = tpu.memref_slice %arg5[%select_n3A, %scan3A_190, %add3A_192] : memref<4x16x131072xf32, #tpu.memory_space<hbm>> -> memref<1x1x4096xf32, #tpu.memory_space<hbm>>
      %dma_start3A_198 = tpu.memref_slice %arg5[%select_n3A, %scan3A_190, %add3A_192] : memref<4x16x131072xf32, #tpu.memory_space<hbm>> -> memref<1x1x4096xf32, #tpu.memory_space<hbm>>
      %dma_start3A_199 = arith.constant 0 : i32
      %dma_start3A_200 = arith.constant 0 : i32
      %dma_start3A_201 = arith.constant 4096 : i32
      %dma_start3A_202 = tpu.memref_slice %arg9[%dma_start3A_199, %dma_start3A_200, %dma_start3A_201] : memref<1x1x16384xf32, #tpu.memory_space<vmem>> -> memref<1x1x4096xf32, #tpu.memory_space<vmem>>
      tpu.enqueue_dma source(%dma_start3A_202 : memref<1x1x4096xf32, #tpu.memory_space<vmem>>) target(%dma_start3A_198 : memref<1x1x4096xf32, #tpu.memory_space<hbm>>) target_semaphore(%arg12 : memref<!tpu.dma_semaphore, #tpu.memory_space<semaphore_mem>>)
    }
    %scan3A_159 = arith.constant 16 : i32
    %scan3A_160 = arith.constant 0 : i32
    %scan3A_161 = arith.constant 0 : i32
    %scan3A_162 = arith.constant 256 : i32
    %scan3A_163 = arith.addi %scan3A_161, %scan3A_162 : i32
    %scan3A_164 = arith.constant 4 : i32
    scf.for %scan3A_190 = %scan3A_161 to %scan3A_163 step %scan3A_164  : i32 {
      %mul3A_191 = arith.constant 16 : i32
      %mul3A_192 = arith.muli %scan3A_190, %mul3A_191 : i32
      %add3A_193 = arith.constant 8192 : i32
      %add3A_194 = arith.addi %add3A_193, %mul3A_192 : i32
      %multiple_of3A_195 = tpu.assume_multiple %add3A_194, 16 : i32
      %get3A = arith.constant 0 : i32
      %get3A_196 = arith.index_cast %get3A : i32 to index
      %get3A_197 = arith.index_cast %multiple_of3A_195 : i32 to index
      %get3A_198 = tpu.vector_load %arg8[%get3A_196, %get3A_197] {strides = array<i32>} : memref<1x16384xi32, #tpu.memory_space<vmem>>, vector<16xi32>,
      %gather3A_199 = tpu.vector_load_idx %arg10[%get3A_198] : memref<16xf32, #tpu.memory_space<vmem>>[vector<16xi32>], vector<16xf32>,
      %swap3A_200 = arith.constant 0 : i32
      %swap3A_201 = arith.constant 0 : i32
      %swap3A_202 = arith.index_cast %swap3A_200 : i32 to index
      %swap3A_203 = arith.index_cast %swap3A_201 : i32 to index
      %swap3A_204 = arith.index_cast %multiple_of3A_195 : i32 to index
      %swap3A_205 = tpu.vector_load %arg9[%swap3A_202, %swap3A_203, %swap3A_204] {strides = array<i32>} : memref<1x1x16384xf32, #tpu.memory_space<vmem>>, vector<16xf32>,
      tpu.vector_store %arg9[%swap3A_202, %swap3A_203, %swap3A_204], %gather3A_199 {strides = array<i32>} : memref<1x1x16384xf32, #tpu.memory_space<vmem>>, vector<16xf32>,
      %scan3A_206 = arith.constant 1 : i32
      %scan3A_207 = arith.addi %scan3A_190, %scan3A_206 : i32
      %mul3A_208 = arith.constant 16 : i32
      %mul3A_209 = arith.muli %scan3A_207, %mul3A_208 : i32
      %add3A_210 = arith.constant 8192 : i32
      %add3A_211 = arith.addi %add3A_210, %mul3A_209 : i32
      %multiple_of3A_212 = tpu.assume_multiple %add3A_211, 16 : i32
      %get3A_213 = arith.constant 0 : i32
      %get3A_214 = arith.index_cast %get3A_213 : i32 to index
      %get3A_215 = arith.index_cast %multiple_of3A_212 : i32 to index
      %get3A_216 = tpu.vector_load %arg8[%get3A_214, %get3A_215] {strides = array<i32>} : memref<1x16384xi32, #tpu.memory_space<vmem>>, vector<16xi32>,
      %gather3A_217 = tpu.vector_load_idx %arg10[%get3A_216] : memref<16xf32, #tpu.memory_space<vmem>>[vector<16xi32>], vector<16xf32>,
      %swap3A_218 = arith.constant 0 : i32
      %swap3A_219 = arith.constant 0 : i32
      %swap3A_220 = arith.index_cast %swap3A_218 : i32 to index
      %swap3A_221 = arith.index_cast %swap3A_219 : i32 to index
      %swap3A_222 = arith.index_cast %multiple_of3A_212 : i32 to index
      %swap3A_223 = tpu.vector_load %arg9[%swap3A_220, %swap3A_221, %swap3A_222] {strides = array<i32>} : memref<1x1x16384xf32, #tpu.memory_space<vmem>>, vector<16xf32>,
      tpu.vector_store %arg9[%swap3A_220, %swap3A_221, %swap3A_222], %gather3A_217 {strides = array<i32>} : memref<1x1x16384xf32, #tpu.memory_space<vmem>>, vector<16xf32>,
      %scan3A_224 = arith.constant 2 : i32
      %scan3A_225 = arith.addi %scan3A_190, %scan3A_224 : i32
      %mul3A_226 = arith.constant 16 : i32
      %mul3A_227 = arith.muli %scan3A_225, %mul3A_226 : i32
      %add3A_228 = arith.constant 8192 : i32
      %add3A_229 = arith.addi %add3A_228, %mul3A_227 : i32
      %multiple_of3A_230 = tpu.assume_multiple %add3A_229, 16 : i32
      %get3A_231 = arith.constant 0 : i32
      %get3A_232 = arith.index_cast %get3A_231 : i32 to index
      %get3A_233 = arith.index_cast %multiple_of3A_230 : i32 to index
      %get3A_234 = tpu.vector_load %arg8[%get3A_232, %get3A_233] {strides = array<i32>} : memref<1x16384xi32, #tpu.memory_space<vmem>>, vector<16xi32>,
      %gather3A_235 = tpu.vector_load_idx %arg10[%get3A_234] : memref<16xf32, #tpu.memory_space<vmem>>[vector<16xi32>], vector<16xf32>,
      %swap3A_236 = arith.constant 0 : i32
      %swap3A_237 = arith.constant 0 : i32
      %swap3A_238 = arith.index_cast %swap3A_236 : i32 to index
      %swap3A_239 = arith.index_cast %swap3A_237 : i32 to index
      %swap3A_240 = arith.index_cast %multiple_of3A_230 : i32 to index
      %swap3A_241 = tpu.vector_load %arg9[%swap3A_238, %swap3A_239, %swap3A_240] {strides = array<i32>} : memref<1x1x16384xf32, #tpu.memory_space<vmem>>, vector<16xf32>,
      tpu.vector_store %arg9[%swap3A_238, %swap3A_239, %swap3A_240], %gather3A_235 {strides = array<i32>} : memref<1x1x16384xf32, #tpu.memory_space<vmem>>, vector<16xf32>,
      %scan3A_242 = arith.constant 3 : i32
      %scan3A_243 = arith.addi %scan3A_190, %scan3A_242 : i32
      %mul3A_244 = arith.constant 16 : i32
      %mul3A_245 = arith.muli %scan3A_243, %mul3A_244 : i32
      %add3A_246 = arith.constant 8192 : i32
      %add3A_247 = arith.addi %add3A_246, %mul3A_245 : i32
      %multiple_of3A_248 = tpu.assume_multiple %add3A_247, 16 : i32
      %get3A_249 = arith.constant 0 : i32
      %get3A_250 = arith.index_cast %get3A_249 : i32 to index
      %get3A_251 = arith.index_cast %multiple_of3A_248 : i32 to index
      %get3A_252 = tpu.vector_load %arg8[%get3A_250, %get3A_251] {strides = array<i32>} : memref<1x16384xi32, #tpu.memory_space<vmem>>, vector<16xi32>,
      %gather3A_253 = tpu.vector_load_idx %arg10[%get3A_252] : memref<16xf32, #tpu.memory_space<vmem>>[vector<16xi32>], vector<16xf32>,
      %swap3A_254 = arith.constant 0 : i32
      %swap3A_255 = arith.constant 0 : i32
      %swap3A_256 = arith.index_cast %swap3A_254 : i32 to index
      %swap3A_257 = arith.index_cast %swap3A_255 : i32 to index
      %swap3A_258 = arith.index_cast %multiple_of3A_248 : i32 to index
      %swap3A_259 = tpu.vector_load %arg9[%swap3A_256, %swap3A_257, %swap3A_258] {strides = array<i32>} : memref<1x1x16384xf32, #tpu.memory_space<vmem>>, vector<16xf32>,
      tpu.vector_store %arg9[%swap3A_256, %swap3A_257, %swap3A_258], %gather3A_253 {strides = array<i32>} : memref<1x1x16384xf32, #tpu.memory_space<vmem>>, vector<16xf32>,
    }
    %scan3A_165 = arith.constant 256 : i32
    %scan3A_166 = arith.constant 0 : i32
    %scan3A_167 = arith.constant 0 : i32
    %scan3A_168 = arith.constant 16 : i32
    %scan3A_169 = arith.addi %scan3A_167, %scan3A_168 : i32
    %scan3A_170 = arith.constant 1 : i32
    scf.for %scan3A_190 = %scan3A_167 to %scan3A_169 step %scan3A_170  : i32 {
      %add3A_191 = arith.constant 8192 : i32
      %add3A_192 = arith.addi %multiple_of3A, %add3A_191 : i32
      %dma_start3A_193 = arith.constant 0 : i32
      %dma_start3A_194 = arith.constant 0 : i32
      %dma_start3A_195 = arith.constant 8192 : i32
      %dma_start3A_196 = tpu.memref_slice %arg9[%dma_start3A_193, %dma_start3A_194, %dma_start3A_195] : memref<1x1x16384xf32, #tpu.memory_space<vmem>> -> memref<1x1x4096xf32, #tpu.memory_space<vmem>>
      %dma_start3A_197 = tpu.memref_slice %arg5[%select_n3A, %scan3A_190, %add3A_192] : memref<4x16x131072xf32, #tpu.memory_space<hbm>> -> memref<1x1x4096xf32, #tpu.memory_space<hbm>>
      %dma_start3A_198 = tpu.memref_slice %arg5[%select_n3A, %scan3A_190, %add3A_192] : memref<4x16x131072xf32, #tpu.memory_space<hbm>> -> memref<1x1x4096xf32, #tpu.memory_space<hbm>>
      %dma_start3A_199 = arith.constant 0 : i32
      %dma_start3A_200 = arith.constant 0 : i32
      %dma_start3A_201 = arith.constant 8192 : i32
      %dma_start3A_202 = tpu.memref_slice %arg9[%dma_start3A_199, %dma_start3A_200, %dma_start3A_201] : memref<1x1x16384xf32, #tpu.memory_space<vmem>> -> memref<1x1x4096xf32, #tpu.memory_space<vmem>>
      tpu.enqueue_dma source(%dma_start3A_202 : memref<1x1x4096xf32, #tpu.memory_space<vmem>>) target(%dma_start3A_198 : memref<1x1x4096xf32, #tpu.memory_space<hbm>>) target_semaphore(%arg12 : memref<!tpu.dma_semaphore, #tpu.memory_space<semaphore_mem>>)
    }
    %scan3A_171 = arith.constant 16 : i32
    %scan3A_172 = arith.constant 0 : i32
    %scan3A_173 = arith.constant 0 : i32
    %scan3A_174 = arith.constant 256 : i32
    %scan3A_175 = arith.addi %scan3A_173, %scan3A_174 : i32
    %scan3A_176 = arith.constant 4 : i32
    scf.for %scan3A_190 = %scan3A_173 to %scan3A_175 step %scan3A_176  : i32 {
      %mul3A_191 = arith.constant 16 : i32
      %mul3A_192 = arith.muli %scan3A_190, %mul3A_191 : i32
      %add3A_193 = arith.constant 12288 : i32
      %add3A_194 = arith.addi %add3A_193, %mul3A_192 : i32
      %multiple_of3A_195 = tpu.assume_multiple %add3A_194, 16 : i32
      %get3A = arith.constant 0 : i32
      %get3A_196 = arith.index_cast %get3A : i32 to index
      %get3A_197 = arith.index_cast %multiple_of3A_195 : i32 to index
      %get3A_198 = tpu.vector_load %arg8[%get3A_196, %get3A_197] {strides = array<i32>} : memref<1x16384xi32, #tpu.memory_space<vmem>>, vector<16xi32>,
      %gather3A_199 = tpu.vector_load_idx %arg10[%get3A_198] : memref<16xf32, #tpu.memory_space<vmem>>[vector<16xi32>], vector<16xf32>,
      %swap3A_200 = arith.constant 0 : i32
      %swap3A_201 = arith.constant 0 : i32
      %swap3A_202 = arith.index_cast %swap3A_200 : i32 to index
      %swap3A_203 = arith.index_cast %swap3A_201 : i32 to index
      %swap3A_204 = arith.index_cast %multiple_of3A_195 : i32 to index
      %swap3A_205 = tpu.vector_load %arg9[%swap3A_202, %swap3A_203, %swap3A_204] {strides = array<i32>} : memref<1x1x16384xf32, #tpu.memory_space<vmem>>, vector<16xf32>,
      tpu.vector_store %arg9[%swap3A_202, %swap3A_203, %swap3A_204], %gather3A_199 {strides = array<i32>} : memref<1x1x16384xf32, #tpu.memory_space<vmem>>, vector<16xf32>,
      %scan3A_206 = arith.constant 1 : i32
      %scan3A_207 = arith.addi %scan3A_190, %scan3A_206 : i32
      %mul3A_208 = arith.constant 16 : i32
      %mul3A_209 = arith.muli %scan3A_207, %mul3A_208 : i32
      %add3A_210 = arith.constant 12288 : i32
      %add3A_211 = arith.addi %add3A_210, %mul3A_209 : i32
      %multiple_of3A_212 = tpu.assume_multiple %add3A_211, 16 : i32
      %get3A_213 = arith.constant 0 : i32
      %get3A_214 = arith.index_cast %get3A_213 : i32 to index
      %get3A_215 = arith.index_cast %multiple_of3A_212 : i32 to index
      %get3A_216 = tpu.vector_load %arg8[%get3A_214, %get3A_215] {strides = array<i32>} : memref<1x16384xi32, #tpu.memory_space<vmem>>, vector<16xi32>,
      %gather3A_217 = tpu.vector_load_idx %arg10[%get3A_216] : memref<16xf32, #tpu.memory_space<vmem>>[vector<16xi32>], vector<16xf32>,
      %swap3A_218 = arith.constant 0 : i32
      %swap3A_219 = arith.constant 0 : i32
      %swap3A_220 = arith.index_cast %swap3A_218 : i32 to index
      %swap3A_221 = arith.index_cast %swap3A_219 : i32 to index
      %swap3A_222 = arith.index_cast %multiple_of3A_212 : i32 to index
      %swap3A_223 = tpu.vector_load %arg9[%swap3A_220, %swap3A_221, %swap3A_222] {strides = array<i32>} : memref<1x1x16384xf32, #tpu.memory_space<vmem>>, vector<16xf32>,
      tpu.vector_store %arg9[%swap3A_220, %swap3A_221, %swap3A_222], %gather3A_217 {strides = array<i32>} : memref<1x1x16384xf32, #tpu.memory_space<vmem>>, vector<16xf32>,
      %scan3A_224 = arith.constant 2 : i32
      %scan3A_225 = arith.addi %scan3A_190, %scan3A_224 : i32
      %mul3A_226 = arith.constant 16 : i32
      %mul3A_227 = arith.muli %scan3A_225, %mul3A_226 : i32
      %add3A_228 = arith.constant 12288 : i32
      %add3A_229 = arith.addi %add3A_228, %mul3A_227 : i32
      %multiple_of3A_230 = tpu.assume_multiple %add3A_229, 16 : i32
      %get3A_231 = arith.constant 0 : i32
      %get3A_232 = arith.index_cast %get3A_231 : i32 to index
      %get3A_233 = arith.index_cast %multiple_of3A_230 : i32 to index
      %get3A_234 = tpu.vector_load %arg8[%get3A_232, %get3A_233] {strides = array<i32>} : memref<1x16384xi32, #tpu.memory_space<vmem>>, vector<16xi32>,
      %gather3A_235 = tpu.vector_load_idx %arg10[%get3A_234] : memref<16xf32, #tpu.memory_space<vmem>>[vector<16xi32>], vector<16xf32>,
      %swap3A_236 = arith.constant 0 : i32
      %swap3A_237 = arith.constant 0 : i32
      %swap3A_238 = arith.index_cast %swap3A_236 : i32 to index
      %swap3A_239 = arith.index_cast %swap3A_237 : i32 to index
      %swap3A_240 = arith.index_cast %multiple_of3A_230 : i32 to index
      %swap3A_241 = tpu.vector_load %arg9[%swap3A_238, %swap3A_239, %swap3A_240] {strides = array<i32>} : memref<1x1x16384xf32, #tpu.memory_space<vmem>>, vector<16xf32>,
      tpu.vector_store %arg9[%swap3A_238, %swap3A_239, %swap3A_240], %gather3A_235 {strides = array<i32>} : memref<1x1x16384xf32, #tpu.memory_space<vmem>>, vector<16xf32>,
      %scan3A_242 = arith.constant 3 : i32
      %scan3A_243 = arith.addi %scan3A_190, %scan3A_242 : i32
      %mul3A_244 = arith.constant 16 : i32
      %mul3A_245 = arith.muli %scan3A_243, %mul3A_244 : i32
      %add3A_246 = arith.constant 12288 : i32
      %add3A_247 = arith.addi %add3A_246, %mul3A_245 : i32
      %multiple_of3A_248 = tpu.assume_multiple %add3A_247, 16 : i32
      %get3A_249 = arith.constant 0 : i32
      %get3A_250 = arith.index_cast %get3A_249 : i32 to index
      %get3A_251 = arith.index_cast %multiple_of3A_248 : i32 to index
      %get3A_252 = tpu.vector_load %arg8[%get3A_250, %get3A_251] {strides = array<i32>} : memref<1x16384xi32, #tpu.memory_space<vmem>>, vector<16xi32>,
      %gather3A_253 = tpu.vector_load_idx %arg10[%get3A_252] : memref<16xf32, #tpu.memory_space<vmem>>[vector<16xi32>], vector<16xf32>,
      %swap3A_254 = arith.constant 0 : i32
      %swap3A_255 = arith.constant 0 : i32
      %swap3A_256 = arith.index_cast %swap3A_254 : i32 to index
      %swap3A_257 = arith.index_cast %swap3A_255 : i32 to index
      %swap3A_258 = arith.index_cast %multiple_of3A_248 : i32 to index
      %swap3A_259 = tpu.vector_load %arg9[%swap3A_256, %swap3A_257, %swap3A_258] {strides = array<i32>} : memref<1x1x16384xf32, #tpu.memory_space<vmem>>, vector<16xf32>,
      tpu.vector_store %arg9[%swap3A_256, %swap3A_257, %swap3A_258], %gather3A_253 {strides = array<i32>} : memref<1x1x16384xf32, #tpu.memory_space<vmem>>, vector<16xf32>,
    }
    %scan3A_177 = arith.constant 256 : i32
    %scan3A_178 = arith.constant 0 : i32
    %scan3A_179 = arith.constant 0 : i32
    %scan3A_180 = arith.constant 16 : i32
    %scan3A_181 = arith.addi %scan3A_179, %scan3A_180 : i32
    %scan3A_182 = arith.constant 1 : i32
    scf.for %scan3A_190 = %scan3A_179 to %scan3A_181 step %scan3A_182  : i32 {
      %add3A_191 = arith.constant 12288 : i32
      %add3A_192 = arith.addi %multiple_of3A, %add3A_191 : i32
      %dma_start3A_193 = arith.constant 0 : i32
      %dma_start3A_194 = arith.constant 0 : i32
      %dma_start3A_195 = arith.constant 12288 : i32
      %dma_start3A_196 = tpu.memref_slice %arg9[%dma_start3A_193, %dma_start3A_194, %dma_start3A_195] : memref<1x1x16384xf32, #tpu.memory_space<vmem>> -> memref<1x1x4096xf32, #tpu.memory_space<vmem>>
      %dma_start3A_197 = tpu.memref_slice %arg5[%select_n3A, %scan3A_190, %add3A_192] : memref<4x16x131072xf32, #tpu.memory_space<hbm>> -> memref<1x1x4096xf32, #tpu.memory_space<hbm>>
      %dma_start3A_198 = tpu.memref_slice %arg5[%select_n3A, %scan3A_190, %add3A_192] : memref<4x16x131072xf32, #tpu.memory_space<hbm>> -> memref<1x1x4096xf32, #tpu.memory_space<hbm>>
      %dma_start3A_199 = arith.constant 0 : i32
      %dma_start3A_200 = arith.constant 0 : i32
      %dma_start3A_201 = arith.constant 12288 : i32
      %dma_start3A_202 = tpu.memref_slice %arg9[%dma_start3A_199, %dma_start3A_200, %dma_start3A_201] : memref<1x1x16384xf32, #tpu.memory_space<vmem>> -> memref<1x1x4096xf32, #tpu.memory_space<vmem>>
      tpu.enqueue_dma source(%dma_start3A_202 : memref<1x1x4096xf32, #tpu.memory_space<vmem>>) target(%dma_start3A_198 : memref<1x1x4096xf32, #tpu.memory_space<hbm>>) target_semaphore(%arg12 : memref<!tpu.dma_semaphore, #tpu.memory_space<semaphore_mem>>)
    }
    %scan3A_183 = arith.constant 16 : i32
    %scan3A_184 = arith.constant 0 : i32
    %scan3A_185 = arith.constant 0 : i32
    %scan3A_186 = arith.constant 64 : i32
    %scan3A_187 = arith.addi %scan3A_185, %scan3A_186 : i32
    %scan3A_188 = arith.constant 1 : i32
    scf.for %scan3A_190 = %scan3A_185 to %scan3A_187 step %scan3A_188  : i32 {
      %dma_wait3A_191 = arith.constant 0 : i32
      %dma_wait3A_192 = arith.constant 0 : i32
      %dma_wait3A_193 = arith.constant 0 : i32
      %dma_wait3A_194 = tpu.memref_slice %arg9[%dma_wait3A_191, %dma_wait3A_192, %dma_wait3A_193] : memref<1x1x16384xf32, #tpu.memory_space<vmem>> -> memref<1x1x4096xf32, #tpu.memory_space<vmem>>
      %dma_wait3A_195 = arith.constant 0 : i32
      %dma_wait3A_196 = tpu.memref_slice %arg5[%select_n3A, %dma_wait3A_195, %multiple_of3A] : memref<4x16x131072xf32, #tpu.memory_space<hbm>> -> memref<1x1x4096xf32, #tpu.memory_space<hbm>>
      %dma_wait3A_197 = arith.constant 0 : i32
      %dma_wait3A_198 = tpu.memref_slice %arg5[%select_n3A, %dma_wait3A_197, %multiple_of3A] : memref<4x16x131072xf32, #tpu.memory_space<hbm>> -> memref<1x1x4096xf32, #tpu.memory_space<hbm>>
      %dma_wait3A_199 = arith.constant 0 : i32
      %dma_wait3A_200 = arith.constant 0 : i32
      %dma_wait3A_201 = arith.constant 0 : i32
      %dma_wait3A_202 = tpu.memref_slice %arg9[%dma_wait3A_199, %dma_wait3A_200, %dma_wait3A_201] : memref<1x1x16384xf32, #tpu.memory_space<vmem>> -> memref<1x1x4096xf32, #tpu.memory_space<vmem>>
      tpu.wait_dma2 semaphore(%arg12 : memref<!tpu.dma_semaphore, #tpu.memory_space<semaphore_mem>>) src(%dma_wait3A_202 : memref<1x1x4096xf32, #tpu.memory_space<vmem>>) dst(%dma_wait3A_198 : memref<1x1x4096xf32, #tpu.memory_space<hbm>>)
    }
    %scan3A_189 = arith.constant 64 : i32
    return
  }
}

</mosaic_0001>

<sc_bundles>
// kernel: kernel.3.cloned.1.call-start
scs
__scs_entry_jumppad:
0x0: {  	(pc) =	sbr.rel $0x88, $3  }
0x1: {  	(tag) =	ssettag $0x0;
	lr =	simm.s32 $0x1  }
0x2: {  	[smem:$0x3F9E] =	sst lr;
	_ =	strace $0xD0000000  }
0x3: {  	_ = 	snop  }
0x4: {  	_ = 	snop  }
0x5: {  	_ = 	snop  }
0x6: {  	_ = 	snop  }
0x7: {  	_ = 	snop  }
__scs_overlays_trampoline_lowered:
0x8: {  	[smem:$0x3FAD] =	sst s0  }
0x9: {  	[smem:$0x3FAE] =	sst s1  }
0xa: {  	[smem:$0x3FAF] =	sst s2  }
0xb: {  	[smem:$0x3FB0] =	sst s3  }
0xc: {  	[smem:$0x3FB1] =	sst s4  }
0xd: {  	[smem:$0x3FB2] =	sst s5  }
0xe: {  	[smem:$0x3FB3] =	sst s6  }
0xf: {  	[smem:$0x3FB4] =	sst s7  }
0x10: {  	[smem:$0x3FB5] =	sst s8  }
0x11: {  	[smem:$0x3FB6] =	sst s9;
	s0 =	simm.s32 @!p0 $0x0  }
0x12: {  	s1 =	sld [smem:$0x3F9C];
	s0 =	simm.s32 @p0 $0x1  }
0x13: {  	[smem:$0x3FB7] =	sst s0;
	s0 =	simm.s32 @!p1 $0x0  }
0x14: {  	s2 =	sld [smem:$0x3F9B];
	s0 =	simm.s32 @p1 $0x1  }
0x15: {  	[smem:$0x3FB8] =	sst s0;
	s0 =	simm.s32 @!p2 $0x0  }
0x16: {  	s3 =	sld [smem:$0x3FDB];
	s0 =	simm.s32 @p2 $0x1  }
0x17: {  	s4 =	simm.s32 $0x1BF5;
	[smem:$0x3FBA] =	sst s0  }
0x18: {  	s0 =	sld [smem:$0x3F9D];
	_ =	swait.ge [sflag:s4], $0x0  }
0x19: {  	s7 =	sld [smem:$0x3F9E]  }
0x1a: {  	s8 =	sadd.s32 $0xFFFFE003, lr  }
0x1b: {  	s9 =	sadd.s32 $0xFFFFFEF7, lr;
	s5 =	simm.s32 $0xFFFFFFFF;
	p2 =	slt.u32 s8, $0xFFFFF086  }
0x1c: {  	p1 =	slt.u32 s9, $0xF7A;
	s5 =	simm.s32 @!p2 $0x0  }
0x1d: {  	s5 =	simm.s32 @p1 $0x1;
	p0 =	seq.s32 s7, s2  }
0x1e: {  	s7 =	smul.u32 @!p0 $0xF7A, s2;
	p2 =	seq.s32 @!p0 s5, $0x0  }
0x1f: {  	s9 =	smul.u32 $0xF7A, s1;
	s8 =	simm.s32 @!p0 $0x1BF5;
	p2 =	por !p2, p0  }
0x20: {  	[sflag:s8] =	ssyncset.s32 @!p0 $0xFFFFF086;
	s6 =	sadd.s32 @!p0 s3, s7;
	s7 =	simm.s32 @!p0 $0x108  }
0x21: {  	s3 =	sadd.s32 s3, s9;
	s6 =	sadd.s32 @!p0 $0x88, s6;
	s7 =	simm.s32 @p2 $0x1082  }
0x22: {  	[simem:s7], [sflag:s8] =	dma.local @!p0 [hbm:s6], $0xF7A  }
0x23: {  	s9 =	sor.u32 $0xD0000000, s2;
	s6 =	simm.s32 $0x108;
	_ =	swait.ge @!p0 [sflag:s8], $0x0  }
0x24: {  	s3 =	sadd.s32 $0x88, s3;
	s6 =	simm.s32 @!p1 $0x1082;
	[sflag:s4] =	ssyncset.s32 $0xFFFFF086  }
0x25: {  	[simem:s6], [sflag:s4] =	dma.local [hbm:s3], $0xF7A  }
0x26: {  	[smem:$0x3F9E] =	sst s1;
	(tag) =	ssettag s2;
	_ =	strace s9  }
0x27: {  	s1 =	sld [smem:$0x3FAE]  }
0x28: {  	s2 =	sld [smem:$0x3FAF]  }
0x29: {  	s4 =	sld [smem:$0x3FB1]  }
0x2a: {  	p0 =	seq.s32 s5, $0x0;
	s5 =	sld [smem:$0x3FB2]  }
0x2b: {  	s6 =	sld [smem:$0x3FB3]  }
0x2c: {  	s7 =	sld [smem:$0x3FB4]  }
0x2d: {  	s3 =	simm.s32 $0x108;
	s8 =	sld [smem:$0x3FB5]  }
0x2e: {  	s3 =	simm.s32 @!p0 $0x1082;
	s9 =	sld [smem:$0x3FB6]  }
0x2f: {  	lr =	sadd.s32 s0, s3;
	s0 =	sld [smem:$0x3FAD]  }
0x30: {  	s3 =	sld [smem:$0x3FB0]  }
0x31: {  	[smem:$0x3FB9] =	sst s10  }
0x32: {  	s10 =	sld [smem:$0x3FB7];
	_ =	sdelay $0x3  }
0x33: {  	p0 =	seq.s32 s10, $0x1;
	s10 =	sld [smem:$0x3FB9];
	_ =	sdelay $0x3  }
0x34: {  	[smem:$0x3FB9] =	sst s10  }
0x35: {  	s10 =	sld [smem:$0x3FB8];
	_ =	sdelay $0x3  }
0x36: {  	p1 =	seq.s32 s10, $0x1;
	s10 =	sld [smem:$0x3FB9];
	_ =	sdelay $0x3  }
0x37: {  	[smem:$0x3FB9] =	sst s10  }
0x38: {  	s10 =	sld [smem:$0x3FBA]  }
0x39: {  	_ = 	snop;
	(pc) =	sbr.ind lr, $3  }
0x3a: {  	_ = 	snop  }
0x3b: {  	_ = 	snop  }
0x3c: {  	p2 =	seq.s32 s10, $0x1;
	s10 =	sld [smem:$0x3FB9]  }
0x3d: {  	_ =	shalt  }
0x3e: {  	_ =	shalt  }
0x3f: {  	_ =	shalt  }
0x40: {  	_ =	shalt  }
0x41: {  	_ =	shalt  }
0x42: {  	_ =	shalt  }
0x43: {  	_ =	shalt  }
0x44: {  	_ =	shalt  }
0x45: {  	_ =	shalt  }
0x46: {  	_ =	shalt  }
0x47: {  	_ =	shalt  }
0x48: {  	_ =	shalt  }
0x49: {  	_ =	shalt  }
0x4a: {  	_ =	shalt  }
0x4b: {  	_ =	shalt  }
0x4c: {  	_ =	shalt  }
0x4d: {  	_ =	shalt  }
0x4e: {  	_ =	shalt  }
0x4f: {  	_ =	shalt  }
0x50: {  	_ =	shalt  }
0x51: {  	_ =	shalt  }
0x52: {  	_ =	shalt  }
0x53: {  	_ =	shalt  }
0x54: {  	_ =	shalt  }
0x55: {  	_ =	shalt  }
0x56: {  	_ =	shalt  }
0x57: {  	_ =	shalt  }
0x58: {  	_ =	shalt  }
0x59: {  	_ =	shalt  }
0x5a: {  	_ =	shalt  }
0x5b: {  	_ =	shalt  }
0x5c: {  	_ =	shalt  }
0x5d: {  	_ =	shalt  }
0x5e: {  	_ =	shalt  }
0x5f: {  	_ =	shalt  }
0x60: {  	_ =	shalt  }
0x61: {  	_ =	shalt  }
0x62: {  	_ =	shalt  }
0x63: {  	_ =	shalt  }
0x64: {  	_ =	shalt  }
0x65: {  	_ =	shalt  }
0x66: {  	_ =	shalt  }
0x67: {  	_ =	shalt  }
0x68: {  	_ =	shalt  }
0x69: {  	_ =	shalt  }
0x6a: {  	_ =	shalt  }
0x6b: {  	_ =	shalt  }
0x6c: {  	_ =	shalt  }
0x6d: {  	_ =	shalt  }
0x6e: {  	_ =	shalt  }
0x6f: {  	_ =	shalt  }
0x70: {  	_ =	shalt  }
0x71: {  	_ =	shalt  }
0x72: {  	_ =	shalt  }
0x73: {  	_ =	shalt  }
0x74: {  	_ =	shalt  }
0x75: {  	_ =	shalt  }
0x76: {  	_ =	shalt  }
0x77: {  	_ =	shalt  }
0x78: {  	_ =	shalt  }
0x79: {  	_ =	shalt  }
0x7a: {  	_ =	shalt  }
0x7b: {  	_ =	shalt  }
0x7c: {  	_ =	shalt  }
0x7d: {  	_ =	shalt  }
0x7e: {  	_ =	shalt  }
0x7f: {  	_ =	shalt  }
0x80: {  	_ =	shalt  }
0x81: {  	_ =	shalt  }
0x82: {  	_ =	shalt  }
0x83: {  	_ =	shalt  }
0x84: {  	_ =	shalt  }
0x85: {  	_ =	shalt  }
0x86: {  	_ =	shalt  }
0x87: {  	_ =	shalt  }
.Lfunc_end0:
.L_simem_size_0:
called_computation_lowered:
.L_overlay_start_0:
0x88: {  	s2 =	sld [smem:$0x3FD9]  }
0x89: {  	s3 =	sld [smem:$0x3FFE];
	_ =	sdelay $0x1  }
0x8a: {  	s1 =	srdreg.scid  }
0x8b: {  	s0 =	sand.u32 $0x1, s1  }
0x8c: {  	s18 =	sshll.u32 s0, $0xA;
	s2 =	sadd.s32 s3, s2  }
0x8d: {  	s2 =	sadd.s32 s2, s18  }
0x8e: {  	[smem:$0x3FC5] =	sst s2  }
0x8f: {  	_ = 	snop  }
0x90: {  	s2 =	sld [smem:$0x3FC9]  }
0x91: {  	s19 =	sld [smem:$0x3FC8]  }
0x92: {  	s4 =	sld [smem:$0x3FC7]  }
0x93: {  	s5 =	sld [smem:$0x3FD0];
	(tm) =	ssettm $0x1  }
0x94: {  	s6 =	sld [smem:$0x3FFB];
	_ =	sdelay $0x3  }
0x95: {  	_ =	strace s6  }
0x96: {  	s6 =	sld [smem:$0x3FFC];
	_ =	sdelay $0x3  }
0x97: {  	_ =	strace s6  }
0x98: {  	s6 =	sld [smem:$0x3FFD];
	_ =	sdelay $0x3  }
0x99: {  	_ =	strace s6  }
0x9a: {  	_ =	strace $0x8FFFFFFF  }
0x9b: {  	s20 =	sld [smem:$0x3FDB];
	_ =	sdelay $0x1  }
0x9c: {  	s7 =	simm.s32 $_scs_section_size  }
0x9d: {  	s8 =	simm.s32 $_size__tile_overlayer_lowered;
	s9 =	simm.s32 $_tile_overlayer_lowered  }
0x9e: {  	s23 =	simm.s32 $0x1BFF;
	s22 =	sshll.u32 s9, $0x1;
	s6 =	sadd.s32 s7, s20  }
0x9f: {  	s10 =	simm.s32 $0x0;
	s21 =	sshll.u32 s8, $0x1;
	s8 =	sadd.s32 s22, s6  }
0xa0: {  	[timem:s10], [sflag:s23] =	dma.local [hbm:s8], s21  }
0xa1: {  	_ =	swait.ge [sflag:s23], s21  }
0xa2: {  	s7 =	ssub.s32 $0x0, s21;
	[sflag:s23] =	ssyncset.done $0x0  }
0xa3: {  	[sflag:s23] =	ssyncadd.s32 s7;
	_ =	sdelay $0x1  }
0xa4: {  	s24 =	simm.s32 $0x1B8B  }
0xa5: {  	_ =	swait.ge [sflag:s24], $0x1  }
0xa6: {  	[sflag:s24] =	ssyncset.done $0x0  }
0xa7: {  	s25 =	simm.s32 $0x1B8E;
	[sflag:s24] =	ssyncadd.s32 $0xFFFFFFFF  }
0xa8: {  	s26 =	simm.s32 $execute0_lowered;
	[smem:$0x3FD2] =	sst s25  }
0xa9: {  	s7 =	sshll.u32 s26, $0x1;
	_ =	strace $0x80000046;
	[dreg:$0x1] =	wrdreg $0xFFFFFFFF  }
0xaa: {  	s28 =	simm.s32 $_size_execute0_lowered;
	s6 =	sadd.s32 s6, s7;
	[dreg:$0x0] =	wrdreg $0x0  }
0xab: {  	s7 =	sshll.u32 s28, $0x1;
	[dreg:$0x2] =	wrdreg s6  }
0xac: {  	[dreg:$0x3] =	wrdreg s7  }
0xad: {  	[dreg:$0x4] =	wrdreg $0xC0  }
0xae: {  	_ =	task [dreg:s10], $0x5FFFF  }
0xaf: {  	[dreg:$0x1] =	wrdreg $0xFFFFFFFF  }
0xb0: {  	[dreg:$0x0] =	wrdreg $0x60  }
0xb1: {  	[dreg:$0x2] =	wrdreg s19  }
0xb2: {  	[dreg:$0x3] =	wrdreg s4  }
0xb3: {  	[dreg:$0x4] =	wrdreg s2  }
0xb4: {  	[dreg:$0x5] =	wrdreg s5  }
0xb5: {  	[dreg:$0x6] =	wrdreg $0x9  }
0xb6: {  	_ =	task.clear_ibuf [dreg:s10], $0x7FFFF;
	_ =	strace $0x90000046  }
0xb7: {  	s29 =	simm.s32 $0x9;
	_ =	strace $0x80000048  }
0xb8: {  	_ =	swait.ge [sflag:s29], $0x1  }
0xb9: {  	[sflag:s29] =	ssyncadd.s32 $0xFFFFFFFF  }
0xba: {  	_ =	strace $0x90000048  }
0xbb: {  	_ =	sfence  }
0xbc: {  	s30 =	sld [smem:$0x0];
	_ =	sdelay $0x2  }
0xbd: {  	s31 =	sshll.u32 s1, $0xD;
	s1 =	sshrl.u32 s1, $0x2  }
0xbe: {  	s3 =	sand.u32 $0x4000, s31;
	s1 =	sadd.s32 s1, s30  }
0xbf: {  	s0 =	sor.u32 s3, s0;
	s1 =	sshll.u32 s1, $0x11  }
0xc0: {  	s0 =	sor.u32 s1, s0  }
0xc1: {  	s0 =	sadd.s32 $0x8F2B, s0  }
0xc2: {  	[sflag:s0] =	ssyncadd.remote.s32 $0x1  }
0xc3: {  	_ =	sfence.sel $0xFFFF  }
0xc4: {  	[dreg:$0x0] =	wrdreg $0xFFFFFFFF;
	(pc) =	sbr.abs _section_cstart, $3  }
0xc5: {  	[dreg:$0x1] =	wrdreg $0xFFFFFFFF  }
0xc6: {  	_ =	task.clear_ibuf [dreg:s10], $0x2FFFF;
	_ =	strace $0x9FFFFFFF  }
0xc7: {  	(tm) =	ssettm $0x7FFFFFFF  }
tec
execute0_lowered:
.L_overlay_start_1:
0x0: {  	(tag) =	ssettag $0x1  }
0x1: {  	s5 =	rddreg [dreg:$0x2]  }
0x2: {  	s6 =	rddreg [dreg:$0x3]  }
0x3: {  	v0 =	vimm.s32 $0xEFCDAB89;
	s4 =	simm.s32 $0x0;
	s7 =	srdreg.scid;
	s0 =	stileid.u32;
	v1 =	vimm.s32 $0x67452301;
	v2 =	vimm.s32 $0xDCFE98BA  }
0x4: {  	v3 =	vimm.s32 $0x54761032;
	v4 =	vimm.s32 $0xBA98FEDC;
	s13 =	simm.s32 $0x1400;
	s14 =	simm.s32 $0x1000;
	s15 =	simm.s32 $0x3  }
0x5: {  	v5 =	vimm.s32 $0x32107654;
	v6 =	vimm.s32 $0xFEDCBA98;
	s16 =	simm.s32 $0x1;
	s17 =	simm.s32 $0x9400;
	s18 =	simm.s32 $0x400  }
0x6: {  	v7 =	vimm.s32 $0x76543210;
	s19 =	simm.s32 $0x5400;
	s20 =	simm.s32 $0x6400;
	s21 =	simm.s32 $0x7400;
	v0 =	vunpack.c.l.s4.s8 v0  }
0x7: {  	s22 =	simm.s32 $0x8400;
	s23 =	simm.s32 $0x2;
	s24 =	simm.s32 $0x0;
	v1 =	vunpack.c.l.s4.s8 v1;
	v2 =	vunpack.c.l.s4.s8 v2;
	v3 =	vunpack.c.l.s4.s8 v3  }
0x8: {  	[smem:$0x7FF] =	sst s4;
	s7 =	sand.u32 $0x1, s7;
	s8 =	sshll.u32 s0, $0x1;
	v4 =	vunpack.c.l.s4.s8 v4;
	v5 =	vunpack.c.l.s4.s8 v5;
	v6 =	vunpack.c.l.s4.s8 v6  }
0x9: {  	s11 =	sshrl.u32 s0, $0x2;
	_ =	strace $0x80000047;
	s9 =	ssub.s32 $0x2, s7;
	v0 =	vunpack.c.0.s8.s32 v0;
	v1 =	vunpack.c.0.s8.s32 v1;
	v2 =	vunpack.c.0.s8.s32 v2  }
0xa: {  	s8 =	sand.u32 $0x6, s8;
	s12 =	sshll.u32 s11, $0x4;
	s11 =	sshll.u32 s11, $0x12;
	v3 =	vunpack.c.0.s8.s32 v3;
	v4 =	vunpack.c.0.s8.s32 v4;
	v5 =	vunpack.c.0.s8.s32 v5  }
0xb: {  	s10 =	sshrl.u32 s9, $0x1;
	s7 =	sor.u32 s7, s8;
	s5 =	sadd.s32 s5, s12;
	v0 =	vcombine.low v1, v0;
	v1 =	vunpack.c.l.s4.s8 v7  }
0xc: {  	s6 =	sadd.s32 s6, s11;
	s11 =	simm.s32 $0x80;
	s12 =	simm.s32 $0x200;
	v2 =	vcombine.low v3, v2;
	v3 =	vcombine.low v5, v4;
	v4 =	vunpack.c.0.s8.s32 v6  }
0xd: {  	vm0 =	vcmask $0x3F08;
	s8 =	sshll.u32 s7, $0xE;
	s7 =	sshll.u32 s7, $0xD;
	s10 =	ssub.s32 s9, s10;
	v5 =	vunpack.c.0.s8.s32 v1  }
0xe: {  	s5 =	sadd.s32 s7, s5;
	s6 =	sadd.s32 s8, s6;
	s10 =	smax.u32 s10, $0x1;
	v1 =	vand.u32 $0xF, v2;
	v2 =	vand.u32 $0xF, v3;
	v3 =	vand.u32 $0xF, v4  }
0xf: {  	vm1 =	vmmov $0x1;
	s7 =	sadd.s32 $0x1000, s6;
	s8 =	sadd.s32 $0x2000, s6;
	s9 =	sadd.s32 $0x3000, s6;
	v0 =	vand.u32 $0xF, v0;
	v3 =	vcombine.low v3, v5  }
.LBB2_1:
0x10: {  	[tilespmem:s13], [sflag:$0x1] =	stream.strided.gather [hbm4b:s5+s11], $0x4000, s12, s11, $0x38;
	[tilespmem:$0x9480] =	vst v63  }
0x11: {  	s0 =	rddreg [dreg:$0x0]  }
0x12: {  	[tilespmem:s4], [sflag:$0x3] =	stream.linear.gather [hbm4b:s0+s4], $0x1000, $0x38;
	[tilespmem:$0x9480] =	vst v63  }
0x13: {  	s31 =	rddreg [dreg:$0x1]  }
0x14: {  	[tilespmem:s14], [sflag:$0x3] =	stream.linear.gather [hbm4b:s31+s4], $0x400, $0x38;
	[tilespmem:$0x9480] =	vst v63  }
0x15: {  	_ =	swait.ge [sflag:s15], $0x1000  }
0x16: {  	[sflag:s15] =	ssyncset.done $0x0  }
0x17: {  	[sflag:s15] =	ssyncadd.s32 $0xFFFFF000  }
0x18: {  	_ =	swait.ge [sflag:s15], $0x400  }
0x19: {  	s25 =	sand.u32 $0x40, s4;
	[sflag:s15] =	ssyncset.done $0x0  }
0x1a: {  	s26 =	simm.s32 $0x0;
	s28 =	sand.u32 $0xE00, s4;
	[sflag:s15] =	ssyncadd.s32 $0xFFFFFC00  }
0x1b: {  	s29 =	sand.u32 $0x380, s4;
	s1 =	sor.u32 s25, s28;
	v11 =	vld [tilespmem:s26+$0x1000]  }
0x1c: {  	s29 =	sor.u32 $0x1000, s29;
	s30 =	sor.u32 $0x30, s25;
	v9 =	vld [tilespmem:s1+$0x0]  }
0x1d: {  	s2 =	sor.u32 s30, s29;
	s31 =	sor.u32 $0x20, s25;
	v13 =	vld [tilespmem:s1+$0x80]  }
0x1e: {  	p0 =	por $0x0, $0x0;
	s25 =	sor.u32 $0x10, s25;
	s3 =	sor.u32 s31, s29;
	v4 =	vld [tilespmem:s2+$0x0]  }
0x1f: {  	s31 =	sor.u32 s31, s28;
	s26 =	sor.u32 s30, s28;
	s30 =	simm.s32 $0x1;
	v5 =	vld [tilespmem:s3+$0x0]  }
0x20: {  	s29 =	sor.u32 s25, s29;
	v8 =	vld [tilespmem:s31+$0x0];
	s30 =	simm.s32 @!p0 $0x0  }
0x21: {  	s25 =	sor.u32 s25, s28;
	v7 =	vld [tilespmem:s29+$0x0];
	s30 =	sshll.u32 s30, $0x6  }
0x22: {  	v18 =	vld [tilespmem:s25+$0x0];
	s30 =	sadd.s32 $0x0, s30  }
0x23: {  	v15 =	vld [tilespmem:s25+$0x80];
	s28 =	sor.u32 $0x100, s30  }
0x24: {  	v14 =	vld [tilespmem:s28+$0x0];
	s28 =	sadd.s32 $0x10, s30  }
0x25: {  	v12 =	vld [tilespmem:s31+$0x80];
	s1 =	sor.u32 $0x100, s28  }
0x26: {  	s2 =	sadd.s32 $0x20, s30;
	v10 =	vld [tilespmem:s1+$0x0]  }
0x27: {  	v6 =	vld [tilespmem:s26+$0x0];
	s3 =	sor.u32 $0x100, s2  }
0x28: {  	v17 =	vimm.f32 $0.0e+00;
	s25 =	simm.s32 $0x0;
	s31 =	sadd.s32 $0x30, s30;
	v20 =	vmul.f32 v9, v11;
	v19 =	vmul.f32 v13, v11;
	v9 =	vld [tilespmem:s3+$0x0]  }
0x29: {  	s29 =	sor.u32 $0x100, s31;
	v13 =	vimm.f32 $0.0e+00;
	s28 =	simm.s32 $0x40;
	v16 =	vmul.f32 v14, v11;
	v14 =	vld [tilespmem:s26+$0x80];
	s26 =	simm.s32 $0x100;
	v11 =	vimm.f32 $0.0e+00  }
.LBB2_2:
0x2a: {  	s0 =	sand.u32 $0x40, s28;
	s30 =	sshra.s32 s26, $0x2;
	s31 =	sand.u32 $0xE00, s26;
	v17 =	vadd.f32 v20, v17;
	v18 =	vmul.f32 v18, v7;
	v15 =	vmul.f32 v15, v7;
	v20 =	vld [tilespmem:s29+$0x0]  }
0x2b: {  	v21 =	vld [tilespmem:s30+$0x1000];
	s29 =	sor.u32 s0, s31;
	s30 =	sand.u32 $0x380, s28;
	v13 =	vadd.f32 v19, v13;
	v11 =	vadd.f32 v16, v11;
	v7 =	vmul.f32 v10, v7  }
0x2c: {  	v8 =	vmul.f32 v8, v5;
	s3 =	sor.u32 $0x30, s0;
	v16 =	vld [tilespmem:s29+$0x0];
	s30 =	sor.u32 $0x1000, s30;
	v10 =	vadd.f32 v18, v17;
	v12 =	vmul.f32 v12, v5  }
0x2d: {  	p0 =	por !p0, !p0;
	v19 =	vld [tilespmem:s29+$0x80];
	s29 =	sor.u32 s3, s30;
	v13 =	vadd.f32 v15, v13;
	v7 =	vadd.f32 v7, v11;
	v5 =	vmul.f32 v9, v5  }
0x2e: {  	s1 =	sor.u32 $0x20, s0;
	s3 =	sor.u32 s3, s31;
	v9 =	vld [tilespmem:s29+$0x0];
	v8 =	vadd.f32 v8, v10;
	v10 =	vmul.f32 v6, v4;
	v11 =	vmul.f32 v14, v4;
	s29 =	simm.s32 $0x1  }
0x2f: {  	s2 =	sor.u32 s1, s30;
	s29 =	simm.s32 @!p0 $0x0;
	v6 =	vld [tilespmem:s3+$0x0];
	v12 =	vadd.f32 v12, v13;
	v7 =	vadd.f32 v5, v7;
	v4 =	vmul.f32 v20, v4  }
0x30: {  	s25 =	sadd.s32 $0x4, s25;
	s0 =	sor.u32 $0x10, s0;
	s1 =	sor.u32 s1, s31;
	v5 =	vld [tilespmem:s2+$0x0];
	v17 =	vadd.f32 v10, v8  }
0x31: {  	p1 =	slt.u32 s25, $0x3C;
	s2 =	sshll.u32 s29, $0x6;
	s29 =	sor.u32 s0, s30;
	v8 =	vld [tilespmem:s1+$0x0];
	v13 =	vadd.f32 v11, v12;
	v11 =	vadd.f32 v4, v7  }
0x32: {  	s0 =	sor.u32 s0, s31;
	s2 =	sadd.s32 s2, s26;
	v7 =	vld [tilespmem:s29+$0x0]  }
0x33: {  	s29 =	sor.u32 $0x100, s2;
	v18 =	vld [tilespmem:s0+$0x0];
	v4 =	vmov v9  }
0x34: {  	v14 =	vld [tilespmem:s29+$0x0];
	s29 =	sadd.s32 $0x10, s2  }
.Ltmp0:
0x35: {  	v15 =	vld [tilespmem:s0+$0x80];
	s0 =	sor.u32 $0x100, s29;
	(pc) =	sbr.rel @p1 .LBB2_2-.Ltmp0, $4  }
0x36: {  	v10 =	vld [tilespmem:s0+$0x0];
	s0 =	sadd.s32 $0x20, s2  }
0x37: {  	v12 =	vld [tilespmem:s1+$0x80];
	s0 =	sor.u32 $0x100, s0  }
0x38: {  	v20 =	vmul.f32 v16, v21;
	v9 =	vld [tilespmem:s0+$0x0];
	s0 =	sadd.s32 $0x30, s2  }
0x39: {  	s28 =	sadd.s32 $0x40, s28;
	s26 =	sadd.s32 $0x100, s26;
	v19 =	vmul.f32 v19, v21;
	v16 =	vmul.f32 v14, v21;
	v14 =	vld [tilespmem:s3+$0x80];
	s29 =	sor.u32 $0x100, s0  }
0x3a: {  	v17 =	vadd.f32 v20, v17;
	v18 =	vmul.f32 v18, v7;
	_ =	sdelay $0x1  }
0x3b: {  	v8 =	vmul.f32 v8, v5;
	v17 =	vadd.f32 v18, v17;
	_ =	sdelay $0x1  }
0x3c: {  	v6 =	vmul.f32 v6, v4;
	v8 =	vadd.f32 v8, v17;
	_ =	sdelay $0x1  }
0x3d: {  	v6 =	vadd.f32 v6, v8;
	_ =	sdelay $0x1  }
0x3e: {  	v50 =	vld [tilespmem:s29+$0x0];
	[tilespmem:$0x9400] =	vst v6  }
0x3f: {  	v51 =	vld.idx.msk [tilespmem:v0+s17+$0x0], $0xffff;
	_ =	sdelay $0x4  }
0x40: {  	v6 =	vadd.f32 v51, v6;
	_ =	sdelay $0x1  }
0x41: {  	[tilespmem:$0x9400] =	vst v6  }
0x42: {  	v52 =	vld.idx.msk [tilespmem:v1+s17+$0x0], $0xffff;
	_ =	sdelay $0x4  }
0x43: {  	v6 =	vadd.f32 v52, v6;
	_ =	sdelay $0x1  }
0x44: {  	[tilespmem:$0x9400] =	vst v6  }
0x45: {  	v15 =	vmul.f32 v15, v7;
	v13 =	vadd.f32 v19, v13;
	v53 =	vld.idx.msk [tilespmem:v2+s17+$0x0], $0xffff;
	_ =	sdelay $0x1  }
0x46: {  	v12 =	vmul.f32 v12, v5;
	v13 =	vadd.f32 v15, v13;
	_ =	sdelay $0x1  }
0x47: {  	v14 =	vmul.f32 v14, v4;
	v12 =	vadd.f32 v12, v13  }
0x48: {  	v6 =	vadd.f32 v53, v6  }
0x49: {  	v12 =	vadd.f32 v14, v12  }
0x4a: {  	[tilespmem:$0x9400] =	vst v6  }
0x4b: {  	v54 =	vld.idx.msk [tilespmem:v3+s17+$0x0], $0xffff;
	[tilespmem:$0x9400] =	vst v12  }
0x4c: {  	v55 =	vld.idx.msk [tilespmem:v0+s17+$0x0], $0xffff;
	_ =	sdelay $0x4  }
0x4d: {  	v12 =	vadd.f32 v55, v12;
	_ =	sdelay $0x1  }
0x4e: {  	[tilespmem:$0x9400] =	vst v12  }
0x4f: {  	v56 =	vld.idx.msk [tilespmem:v1+s17+$0x0], $0xffff;
	_ =	sdelay $0x4  }
0x50: {  	v12 =	vadd.f32 v56, v12;
	_ =	sdelay $0x1  }
0x51: {  	[tilespmem:$0x9400] =	vst v12  }
0x52: {  	v11 =	vadd.f32 v16, v11;
	v58 =	vmul.f32 v10, v7;
	v57 =	vld.idx.msk [tilespmem:v2+s17+$0x0], $0xffff;
	_ =	sdelay $0x1  }
0x53: {  	v7 =	vadd.f32 v58, v11;
	v5 =	vmul.f32 v9, v5;
	_ =	sdelay $0x1  }
0x54: {  	v5 =	vadd.f32 v5, v7;
	v4 =	vmul.f32 v50, v4  }
0x55: {  	v59 =	vadd.f32 v57, v12  }
0x56: {  	v4 =	vadd.f32 v4, v5  }
0x57: {  	[tilespmem:$0x9400] =	vst v59  }
0x58: {  	v5 =	vld.idx.msk [tilespmem:v3+s17+$0x0], $0xffff;
	[tilespmem:$0x9400] =	vst v4  }
0x59: {  	v60 =	vld.idx.msk [tilespmem:v0+s17+$0x0], $0xffff;
	_ =	sdelay $0x4  }
0x5a: {  	v4 =	vadd.f32 v60, v4;
	_ =	sdelay $0x1  }
0x5b: {  	[tilespmem:$0x9400] =	vst v4  }
0x5c: {  	v61 =	vld.idx.msk [tilespmem:v1+s17+$0x0], $0xffff;
	_ =	sdelay $0x4  }
0x5d: {  	v4 =	vadd.f32 v61, v4;
	_ =	sdelay $0x1  }
0x5e: {  	[tilespmem:$0x9400] =	vst v4  }
0x5f: {  	v62 =	vld.idx.msk [tilespmem:v2+s17+$0x0], $0xffff;
	_ =	sdelay $0x4  }
0x60: {  	v4 =	vadd.f32 v62, v4;
	_ =	sdelay $0x1  }
0x61: {  	[tilespmem:$0x9400] =	vst v4  }
0x62: {  	v63 =	vld.idx.msk [tilespmem:v3+s17+$0x0], $0xffff;
	_ =	sdelay $0x4  }
0x63: {  	v5 =	vadd.f32 v5, v59;
	v4 =	vadd.f32 v63, v4  }
0x64: {  	v6 =	vadd.f32 v54, v6  }
0x65: {  	v4 =	vsel vm0, v4, v5  }
0x66: {  	v4 =	vsel vm1, v6, v4  }
0x67: {  	[tilespmem:$0x9400] =	vst v4  }
0x68: {  	_ =	swait.ge [sflag:s16], $0x4000  }
0x69: {  	s25 =	simm.s32 $0xFFFFFFFC;
	[sflag:s16] =	ssyncset.done $0x0  }
0x6a: {  	s26 =	simm.s32 $0x5420;
	s28 =	simm.s32 $0x1420;
	[sflag:s16] =	ssyncadd.s32 $0xFFFFC000  }
.LBB2_4:
0x6b: {  	v4 =	vld [tilespmem:s28+$0xFFFFFFE0];
	_ =	sdelay $0x7  }
0x6c: {  	v4 =	vld.idx.msk [tilespmem:v4+s17+$0x0], $0xffff;
	_ =	sdelay $0x4  }
0x6d: {  	[tilespmem:s26+$0xFFFFFFE0] =	vst v4  }
0x6e: {  	v4 =	vld [tilespmem:s28+$0xFFFFFFF0];
	_ =	sdelay $0x7  }
0x6f: {  	v4 =	vld.idx.msk [tilespmem:v4+s17+$0x0], $0xffff;
	_ =	sdelay $0x4  }
0x70: {  	[tilespmem:s26+$0xFFFFFFF0] =	vst v4  }
0x71: {  	v4 =	vld [tilespmem:s28+$0x0];
	_ =	sdelay $0x7  }
0x72: {  	v4 =	vld.idx.msk [tilespmem:v4+s17+$0x0], $0xffff;
	_ =	sdelay $0x4  }
0x73: {  	[tilespmem:s26+$0x0] =	vst v4  }
0x74: {  	v4 =	vld [tilespmem:s28+$0x10];
	_ =	sdelay $0x6  }
0x75: {  	s25 =	sadd.s32 $0x4, s25  }
0x76: {  	p0 =	slt.u32 s25, $0xFC;
	v4 =	vld.idx.msk [tilespmem:v4+s17+$0x0], $0xffff  }
.Ltmp1:
0x77: {  	_ = 	snop;
	(pc) =	sbr.rel @p0 .LBB2_4-.Ltmp1, $2  }
0x78: {  	_ =	sdelay $0x2  }
0x79: {  	s29 =	simm.s32 $0x0;
	s28 =	sadd.s32 $0x40, s28;
	[tilespmem:s26+$0x10] =	vst v4;
	s26 =	sadd.s32 $0x40, s26  }
0x7a: {  	s0 =	sand.u32 $0x20000, s29  }
0x7b: {  	s1 =	sand.u32 $0x70, s29;
	s0 =	sadd.s32 s0, s6  }
0x7c: {  	s25 =	simm.s32 $0x4000;
	s26 =	simm.s32 $0x10;
	s28 =	sadd.s32 s1, s0  }
.LBB2_6:
0x7d: {  	[hbm4b:s28+s11] =	stream.strided.scatter [tilespmem:s19], [sflag:$0x2], $0x1000, s18, s11, $0x38;
	[tilespmem:$0x9480] =	vst v63  }
0x7e: {  	s0 =	smov.u32 s25;
	p0 =	sne.s32 s25, $0x3C000  }
.Ltmp2:
0x7f: {  	s25 =	sadd.s32 $0x4000, s25;
	(pc) =	sbr.rel @p0 .LBB2_6-.Ltmp2, $4  }
0x80: {  	_ = 	snop  }
0x81: {  	s0 =	sand.u32 $0x20000, s0  }
0x82: {  	s1 =	sand.u32 $0x70, s26;
	s0 =	sadd.s32 s0, s6  }
0x83: {  	s26 =	sadd.s32 $0x10, s26;
	s28 =	sadd.s32 s1, s0  }
0x84: {  	[hbm4b:s28+s11] =	stream.strided.scatter [tilespmem:s19], [sflag:$0x2], $0x1000, s18, s11, $0x38;
	[tilespmem:$0x9480] =	vst v63  }
0x85: {  	s25 =	simm.s32 $0xFFFFFFFC;
	s26 =	simm.s32 $0x6430;
	s28 =	simm.s32 $0x2430  }
.LBB2_8:
0x86: {  	v4 =	vld [tilespmem:s28+$0xFFFFFFD0];
	_ =	sdelay $0x7  }
0x87: {  	v4 =	vld.idx.msk [tilespmem:v4+s17+$0x0], $0xffff;
	_ =	sdelay $0x4  }
0x88: {  	[tilespmem:s26+$0xFFFFFFD0] =	vst v4  }
0x89: {  	v4 =	vld [tilespmem:s28+$0xFFFFFFE0];
	_ =	sdelay $0x7  }
0x8a: {  	v4 =	vld.idx.msk [tilespmem:v4+s17+$0x0], $0xffff;
	_ =	sdelay $0x4  }
0x8b: {  	[tilespmem:s26+$0xFFFFFFE0] =	vst v4  }
0x8c: {  	v4 =	vld [tilespmem:s28+$0xFFFFFFF0];
	_ =	sdelay $0x7  }
0x8d: {  	v4 =	vld.idx.msk [tilespmem:v4+s17+$0x0], $0xffff;
	_ =	sdelay $0x4  }
0x8e: {  	[tilespmem:s26+$0xFFFFFFF0] =	vst v4  }
0x8f: {  	v4 =	vld [tilespmem:s28+$0x0];
	_ =	sdelay $0x6  }
0x90: {  	s25 =	sadd.s32 $0x4, s25  }
0x91: {  	p0 =	slt.u32 s25, $0xFC;
	v4 =	vld.idx.msk [tilespmem:v4+s17+$0x0], $0xffff  }
.Ltmp3:
0x92: {  	_ = 	snop;
	(pc) =	sbr.rel @p0 .LBB2_8-.Ltmp3, $2  }
0x93: {  	_ =	sdelay $0x2  }
0x94: {  	s29 =	simm.s32 $0x0;
	s28 =	sadd.s32 $0x40, s28;
	[tilespmem:s26+$0x0] =	vst v4;
	s26 =	sadd.s32 $0x40, s26  }
0x95: {  	s0 =	sand.u32 $0x20000, s29  }
0x96: {  	s1 =	sand.u32 $0x70, s29;
	s0 =	sadd.s32 s0, s7  }
0x97: {  	s25 =	simm.s32 $0x4000;
	s26 =	simm.s32 $0x10;
	s28 =	sadd.s32 s1, s0  }
.LBB2_10:
0x98: {  	[hbm4b:s28+s11] =	stream.strided.scatter [tilespmem:s20], [sflag:$0x2], $0x1000, s18, s11, $0x38;
	[tilespmem:$0x9480] =	vst v63  }
0x99: {  	s0 =	smov.u32 s25;
	p0 =	sne.s32 s25, $0x3C000  }
.Ltmp4:
0x9a: {  	s25 =	sadd.s32 $0x4000, s25;
	(pc) =	sbr.rel @p0 .LBB2_10-.Ltmp4, $4  }
0x9b: {  	_ = 	snop  }
0x9c: {  	s0 =	sand.u32 $0x20000, s0  }
0x9d: {  	s1 =	sand.u32 $0x70, s26;
	s0 =	sadd.s32 s0, s7  }
0x9e: {  	s26 =	sadd.s32 $0x10, s26;
	s28 =	sadd.s32 s1, s0  }
0x9f: {  	[hbm4b:s28+s11] =	stream.strided.scatter [tilespmem:s20], [sflag:$0x2], $0x1000, s18, s11, $0x38;
	[tilespmem:$0x9480] =	vst v63  }
0xa0: {  	s25 =	simm.s32 $0xFFFFFFFC;
	s26 =	simm.s32 $0x7430;
	s28 =	simm.s32 $0x3430  }
.LBB2_12:
0xa1: {  	v4 =	vld [tilespmem:s28+$0xFFFFFFD0];
	_ =	sdelay $0x7  }
0xa2: {  	v4 =	vld.idx.msk [tilespmem:v4+s17+$0x0], $0xffff;
	_ =	sdelay $0x4  }
0xa3: {  	[tilespmem:s26+$0xFFFFFFD0] =	vst v4  }
0xa4: {  	v4 =	vld [tilespmem:s28+$0xFFFFFFE0];
	_ =	sdelay $0x7  }
0xa5: {  	v4 =	vld.idx.msk [tilespmem:v4+s17+$0x0], $0xffff;
	_ =	sdelay $0x4  }
0xa6: {  	[tilespmem:s26+$0xFFFFFFE0] =	vst v4  }
0xa7: {  	v4 =	vld [tilespmem:s28+$0xFFFFFFF0];
	_ =	sdelay $0x7  }
0xa8: {  	v4 =	vld.idx.msk [tilespmem:v4+s17+$0x0], $0xffff;
	_ =	sdelay $0x4  }
0xa9: {  	[tilespmem:s26+$0xFFFFFFF0] =	vst v4  }
0xaa: {  	v4 =	vld [tilespmem:s28+$0x0];
	_ =	sdelay $0x6  }
0xab: {  	s25 =	sadd.s32 $0x4, s25  }
0xac: {  	p0 =	slt.u32 s25, $0xFC;
	v4 =	vld.idx.msk [tilespmem:v4+s17+$0x0], $0xffff  }
.Ltmp5:
0xad: {  	_ = 	snop;
	(pc) =	sbr.rel @p0 .LBB2_12-.Ltmp5, $2  }
0xae: {  	_ =	sdelay $0x2  }
0xaf: {  	s29 =	simm.s32 $0x0;
	s28 =	sadd.s32 $0x40, s28;
	[tilespmem:s26+$0x0] =	vst v4;
	s26 =	sadd.s32 $0x40, s26  }
0xb0: {  	s0 =	sand.u32 $0x20000, s29  }
0xb1: {  	s1 =	sand.u32 $0x70, s29;
	s0 =	sadd.s32 s0, s8  }
0xb2: {  	s25 =	simm.s32 $0x4000;
	s26 =	simm.s32 $0x10;
	s28 =	sadd.s32 s1, s0  }
.LBB2_14:
0xb3: {  	[hbm4b:s28+s11] =	stream.strided.scatter [tilespmem:s21], [sflag:$0x2], $0x1000, s18, s11, $0x38;
	[tilespmem:$0x9480] =	vst v63  }
0xb4: {  	s0 =	smov.u32 s25;
	p0 =	sne.s32 s25, $0x3C000  }
.Ltmp6:
0xb5: {  	s25 =	sadd.s32 $0x4000, s25;
	(pc) =	sbr.rel @p0 .LBB2_14-.Ltmp6, $4  }
0xb6: {  	_ = 	snop  }
0xb7: {  	s0 =	sand.u32 $0x20000, s0  }
0xb8: {  	s1 =	sand.u32 $0x70, s26;
	s0 =	sadd.s32 s0, s8  }
0xb9: {  	s26 =	sadd.s32 $0x10, s26;
	s28 =	sadd.s32 s1, s0  }
0xba: {  	[hbm4b:s28+s11] =	stream.strided.scatter [tilespmem:s21], [sflag:$0x2], $0x1000, s18, s11, $0x38;
	[tilespmem:$0x9480] =	vst v63  }
0xbb: {  	s25 =	simm.s32 $0xFFFFFFFC;
	s26 =	simm.s32 $0x8430;
	s28 =	simm.s32 $0x4430  }
.LBB2_16:
0xbc: {  	v4 =	vld [tilespmem:s28+$0xFFFFFFD0];
	_ =	sdelay $0x7  }
0xbd: {  	v4 =	vld.idx.msk [tilespmem:v4+s17+$0x0], $0xffff;
	_ =	sdelay $0x4  }
0xbe: {  	[tilespmem:s26+$0xFFFFFFD0] =	vst v4  }
0xbf: {  	v4 =	vld [tilespmem:s28+$0xFFFFFFE0];
	_ =	sdelay $0x7  }
0xc0: {  	v4 =	vld.idx.msk [tilespmem:v4+s17+$0x0], $0xffff;
	_ =	sdelay $0x4  }
0xc1: {  	[tilespmem:s26+$0xFFFFFFE0] =	vst v4  }
0xc2: {  	v4 =	vld [tilespmem:s28+$0xFFFFFFF0];
	_ =	sdelay $0x7  }
0xc3: {  	v4 =	vld.idx.msk [tilespmem:v4+s17+$0x0], $0xffff;
	_ =	sdelay $0x4  }
0xc4: {  	[tilespmem:s26+$0xFFFFFFF0] =	vst v4  }
0xc5: {  	v4 =	vld [tilespmem:s28+$0x0];
	_ =	sdelay $0x6  }
0xc6: {  	s25 =	sadd.s32 $0x4, s25  }
0xc7: {  	p0 =	slt.u32 s25, $0xFC;
	v4 =	vld.idx.msk [tilespmem:v4+s17+$0x0], $0xffff  }
.Ltmp7:
0xc8: {  	_ = 	snop;
	(pc) =	sbr.rel @p0 .LBB2_16-.Ltmp7, $2  }
0xc9: {  	_ =	sdelay $0x2  }
0xca: {  	s29 =	simm.s32 $0x0;
	s28 =	sadd.s32 $0x40, s28;
	[tilespmem:s26+$0x0] =	vst v4;
	s26 =	sadd.s32 $0x40, s26  }
0xcb: {  	s0 =	sand.u32 $0x20000, s29  }
0xcc: {  	s1 =	sand.u32 $0x70, s29;
	s0 =	sadd.s32 s0, s9  }
0xcd: {  	s25 =	simm.s32 $0x4000;
	s26 =	simm.s32 $0x10;
	s28 =	sadd.s32 s1, s0  }
.LBB2_18:
0xce: {  	[hbm4b:s28+s11] =	stream.strided.scatter [tilespmem:s22], [sflag:$0x2], $0x1000, s18, s11, $0x38;
	[tilespmem:$0x9480] =	vst v63  }
0xcf: {  	s0 =	smov.u32 s25;
	p0 =	sne.s32 s25, $0x3C000  }
.Ltmp8:
0xd0: {  	s25 =	sadd.s32 $0x4000, s25;
	(pc) =	sbr.rel @p0 .LBB2_18-.Ltmp8, $4  }
0xd1: {  	_ = 	snop  }
0xd2: {  	s0 =	sand.u32 $0x20000, s0  }
0xd3: {  	s1 =	sand.u32 $0x70, s26;
	s0 =	sadd.s32 s0, s9  }
0xd4: {  	s26 =	sadd.s32 $0x10, s26;
	s28 =	sadd.s32 s1, s0  }
0xd5: {  	[hbm4b:s28+s11] =	stream.strided.scatter [tilespmem:s22], [sflag:$0x2], $0x1000, s18, s11, $0x38;
	[tilespmem:$0x9480] =	vst v63  }
0xd6: {  	_ =	swait.ge [sflag:s23], $0x1000  }
0xd7: {  	s25 =	simm.s32 $0x3F;
	[sflag:s23] =	ssyncset.done $0x0  }
.LBB2_20:
0xd8: {  	p0 =	sne.s32 s25, $0x1;
	s25 =	sadd.s32 $0xFFFFFFFF, s25;
	[sflag:s23] =	ssyncadd.s32 $0xFFFFF000  }
.Ltmp9:
0xd9: {  	(pc) =	sbr.rel @p0 .LBB2_20-.Ltmp9, $3  }
0xda: {  	_ =	sdelay $0x1  }
0xdb: {  	_ =	swait.ge [sflag:s23], $0x1000  }
0xdc: {  	[sflag:s23] =	ssyncset.done $0x0  }
0xdd: {  	s24 =	sadd.s32 $0x1, s24  }
0xde: {  	p0 =	sne.s32 s24, s10  }
.Ltmp10:
0xdf: {  	_ = 	snop;
	(pc) =	sbr.rel @p0 .LBB2_1-.Ltmp10, $2  }
0xe0: {  	_ =	sdelay $0x2  }
0xe1: {  	[sflag:s23] =	ssyncadd.s32 $0xFFFFF000  }
0xe2: {  	_ =	sfence.sel $0x180000  }
0xe3: {  	[bflag:$0x0] =	sbarrier.arrive $0xFFFF  }
0xe4: {  	_ =	strace $0x90000047  }
0xe5: {  	s0 =	stileid.u32;
	[bflag:$0x2] =	sbarrier.arrive $0xFFFF  }
0xe6: {  	p0 =	sne.s32 s0, $0x0;
	s0 =	rddreg [dreg:$0x4]  }
0xe7: {  	s0 =	sadd.s32 @!p0 $0x100000, s0  }
0xe8: {  	[sflag:s0] =	ssyncadd.tile.s32 @!p0 $0x1;
	_ =	shalt  }
.Lfunc_end2:
_tile_overlayer_lowered:
.L_overlay_start_2:
0xe9: {  	(tag) =	ssettag $0x2  }
0xea: {  	s0 =	rddreg [dreg:$0x0];
	s2 =	stileid.u32  }
0xeb: {  	s1 =	rddreg [dreg:$0x1];
	p0 =	sne.s32 s2, $0x0  }
0xec: {  	s3 =	rddreg [dreg:$0x2];
	[bflag:$0x3] =	sbarrier.arrive $0xFFFF;
	s2 =	simm.s32 @!p0 $0x1C04  }
0xed: {  	[timem:s3], [sflag:s2] =	dma.local @!p0 [hbm:s0], s1  }
0xee: {  	s0 =	simm.s32 @!p0 $0x4  }
0xef: {  	_ =	swait.ge @!p0 [sflag:s0], s1  }
0xf0: {  	s1 =	ssub.s32 @!p0 $0x0, s1;
	[sflag:s0] =	ssyncset.done @!p0 $0x0  }
0xf1: {  	[sflag:s0] =	ssyncadd.s32 @!p0 s1  }
0xf2: {  	[bflag:$0x3] =	sbarrier.arrive $0xFFFF  }
0xf3: {  	_ =	shalt  }

</sc_bundles>
